<compile_context>
chip_gen: v7x
topology: tpu7x:2x2x1
jax: 0.10.2.dev20260603
libtpu: 0.0.44.dev20260713+nightly
codegen_flags: <defaults>
</compile_context>

<pallas_src>
import functools

import jax
import jax.numpy as jnp
from jax import lax
from jax.experimental import pallas as pl
from jax.experimental.pallas import tpu as pltpu
from jax.experimental.pallas import tpu_sc as plsc

_NC = 2
_NS = 16
_NW = _NC * _NS
_LANES = 16
_IDX_CHUNK = 128


def _gather_sum(words_flat, docs_flat, word_emb, doc_emb, B, C, D):
    b_per_w = B // _NW
    per_w_idx = b_per_w * C
    n_chunks = pl.cdiv(per_w_idx, _IDX_CHUNK)
    nd = D // _LANES

    widx = words_flat.reshape(_NW, n_chunks, _IDX_CHUNK)
    mesh = plsc.VectorSubcoreMesh(core_axis_name="c", subcore_axis_name="s")

    @functools.partial(
        pl.kernel,
        mesh=mesh,
        out_type=jax.ShapeDtypeStruct((B, D), jnp.float32),
        scratch_types=[
            pltpu.VMEM((n_chunks, _IDX_CHUNK), jnp.int32),
            pltpu.VMEM((b_per_w,), jnp.int32),
            pltpu.VMEM((per_w_idx, D), jnp.float32),
            pltpu.VMEM((b_per_w, D), jnp.float32),
            pltpu.VMEM((b_per_w, D), jnp.float32),
            pltpu.SemaphoreType.DMA,
        ],
    )
    def body(widx_hbm, didx_hbm, wtab_hbm, dtab_hbm, out_hbm,
             widx_v, didx_v, wrows_v, drows_v, out_v, sem):
        wid = lax.axis_index("s") * _NC + lax.axis_index("c")
        base = wid * b_per_w
        pltpu.sync_copy(widx_hbm.at[wid], widx_v)
        pltpu.sync_copy(didx_hbm.at[pl.ds(base, b_per_w)], didx_v)
        copies = []
        for j in range(n_chunks):
            copies.append(pltpu.async_copy(
                wtab_hbm.at[widx_v.at[j]],
                wrows_v.at[pl.ds(j * _IDX_CHUNK, _IDX_CHUNK)], sem))
        copies.append(pltpu.async_copy(dtab_hbm.at[didx_v], drows_v, sem))
        for cp in copies:
            cp.wait()

        def accum(lb, carry):
            accs = [drows_v[lb, pl.ds(d * _LANES, _LANES)] for d in range(nd)]
            for j in range(C):
                row = lb * C + j
                for d in range(nd):
                    accs[d] = accs[d] + wrows_v[row, pl.ds(d * _LANES, _LANES)]
            for d in range(nd):
                out_v[lb, pl.ds(d * _LANES, _LANES)] = accs[d]
            return carry

        lax.fori_loop(0, b_per_w, accum, 0)
        pltpu.sync_copy(out_v, out_hbm.at[pl.ds(base, b_per_w)])

    return body(widx, docs_flat, word_emb, doc_emb)


def _projection(hidden, W, bias, VB=2048):
    B, D = hidden.shape
    V = W.shape[0]
    nv = pl.cdiv(V, VB)
    bias2 = bias.reshape(1, V)

    def mm(h_ref, w_ref, b_ref, o_ref):
        o_ref[...] = lax.dot_general(
            h_ref[...], w_ref[...],
            dimension_numbers=(((1,), (1,)), ((), ())),
            preferred_element_type=jnp.float32,
        ) + b_ref[...]

    return pl.pallas_call(
        mm,
        grid=(nv,),
        in_specs=[
            pl.BlockSpec((B, D), lambda i: (0, 0)),
            pl.BlockSpec((VB, D), lambda i: (i, 0)),
            pl.BlockSpec((1, VB), lambda i: (0, i)),
        ],
        out_specs=pl.BlockSpec((B, VB), lambda i: (0, i)),
        out_shape=jax.ShapeDtypeStruct((B, V), jnp.float32),
    )(hidden, W, bias2)


def kernel(input_words, input_docs, word_emb, doc_emb, W, b):
    C, B = input_words.shape
    V, D = W.shape
    words_flat = input_words.T.reshape(B * C).astype(jnp.int32)
    docs_flat = input_docs.reshape(B).astype(jnp.int32)
    hidden = _gather_sum(words_flat, docs_flat, word_emb, doc_emb, B, C, D)
    out = _projection(hidden, W, b)
    return out[None, :, :]

# --- scband reference (transcript-rebuilt; emitter-appended) ---
"""Pipeline reference for scband-doc2-vec-dm-75531294867553 (READ-ONLY COPY).

The authoritative reference and input builder live on the scoring server;
editing this copy changes nothing except your own understanding.
"""

import jax, jax.numpy as jnp
import numpy as np

VOCAB = 100000
DOCS = 100000
EMBED = 128
CTX = 20
B = 1024


def setup_inputs(seed: int = 0) -> dict:
    key = jax.random.key(seed)
    k1, k2, k3, k4, k5 = jax.random.split(key, 5)
    input_words = jax.random.randint(k1, (CTX, B), 0, VOCAB)
    input_docs = jax.random.randint(k2, (1, B), 0, DOCS)
    word_emb = jax.random.normal(k3, (VOCAB, EMBED), dtype=jnp.float32) * 0.02
    doc_emb = jax.random.normal(k4, (DOCS, EMBED), dtype=jnp.float32) * 0.02
    W = jax.random.normal(k5, (VOCAB, EMBED), dtype=jnp.float32) * 0.02
    b = jnp.zeros((VOCAB,), dtype=jnp.float32)
    return {"input_words": input_words, "input_docs": input_docs,
            "word_emb": word_emb, "doc_emb": doc_emb, "W": W, "b": b}


def reference(input_words, input_docs, word_emb, doc_emb, W, b):
    # target_embed = word_embeddings(input_words[0]); then accumulate the rest
    target_embed = jnp.take(word_emb, input_words[0], axis=0)
    for i in range(1, input_words.shape[0]):
        target_embed = target_embed + jnp.take(word_emb, input_words[i], axis=0)
    # doc_embeddings(input_docs).squeeze(0)
    doc_embeddings = jnp.squeeze(jnp.take(doc_emb, input_docs, axis=0), axis=0)
    # linear(target + doc).unsqueeze(0)
    out = (target_embed + doc_embeddings) @ W.T + b
    return out[None, :, :]

if __name__ == "__main__":
    import jax
    _d = setup_inputs()
    print(jax.jit(kernel)(*tuple(_d.values())))

</pallas_src>

<mosaic_0001>
#map = affine_map<(d0, d1) -> (0, 0, 0)>
#map1 = affine_map<(d0, d1) -> (0)>
#map2 = affine_map<(d0, d1) -> (0, 0)>
module attributes {stable_mosaic.version = 14 : i64} {
  func.func @body(%arg0: i32, %arg1: i32, %arg2: memref<32x5x128xi32, #tpu.memory_space<hbm>>, %arg3: memref<1024xi32, #tpu.memory_space<hbm>>, %arg4: memref<100000x128xf32, #tpu.memory_space<hbm>>, %arg5: memref<100000x128xf32, #tpu.memory_space<hbm>>, %arg6: memref<1024x128xf32, #tpu.memory_space<hbm>>, %arg7: memref<5x128xi32, #tpu.memory_space<vmem>>, %arg8: memref<32xi32, #tpu.memory_space<vmem>>, %arg9: memref<640x128xf32, #tpu.memory_space<vmem>>, %arg10: memref<32x128xf32, #tpu.memory_space<vmem>>, %arg11: memref<32x128xf32, #tpu.memory_space<vmem>>, %arg12: memref<!tpu.dma_semaphore, #tpu.memory_space<semaphore_mem>>) attributes {dimension_semantics = [#tpu.dimension_semantics<core_parallel>, #tpu.dimension_semantics<subcore_parallel>], iteration_bounds = array<i64: 2, 16>, scalar_prefetch = 0 : i64, scratch_operands = 6 : i64, tpu.core_type = #tpu.core_type<sc_vector_subcore>, window_params = [{transform_indices = #map}, {transform_indices = #map1}, {transform_indices = #map2}, {transform_indices = #map2}, {transform_indices = #map2}]} {
    %mul3A = arith.constant 2 : i32
    %mul3A_0 = arith.muli %arg1, %mul3A : i32
    %add3A = arith.addi %mul3A_0, %arg0 : i32
    %mul3A_1 = arith.constant 32 : i32
    %mul3A_2 = arith.muli %add3A, %mul3A_1 : i32
    "tpu.region"() ({
      %run_scoped3A = tpu.sem_alloc : memref<!tpu.dma_semaphore, #tpu.memory_space<semaphore_mem>>
      %dma_start3A_112 = arith.constant 0 : i32
      %dma_start3A_113 = arith.constant 0 : i32
      %dma_start3A_114 = tpu.memref_slice %arg2[%add3A, %dma_start3A_112, %dma_start3A_113] : memref<32x5x128xi32, #tpu.memory_space<hbm>> -> memref<1x5x128xi32, #tpu.memory_space<hbm>>
      %dma_start3A_115 = tpu.memref_squeeze %dma_start3A_114 : memref<1x5x128xi32, #tpu.memory_space<hbm>> -> memref<5x128xi32, #tpu.memory_space<hbm>>
      %dma_start3A_116 = arith.constant 0 : i32
      %dma_start3A_117 = arith.constant 0 : i32
      %dma_start3A_118 = tpu.memref_slice %arg2[%add3A, %dma_start3A_116, %dma_start3A_117] : memref<32x5x128xi32, #tpu.memory_space<hbm>> -> memref<1x5x128xi32, #tpu.memory_space<hbm>>
      %dma_start3A_119 = tpu.memref_squeeze %dma_start3A_118 : memref<1x5x128xi32, #tpu.memory_space<hbm>> -> memref<5x128xi32, #tpu.memory_space<hbm>>
      tpu.enqueue_dma source(%dma_start3A_119 : memref<5x128xi32, #tpu.memory_space<hbm>>) target(%arg7 : memref<5x128xi32, #tpu.memory_space<vmem>>) target_semaphore(%run_scoped3A : memref<!tpu.dma_semaphore, #tpu.memory_space<semaphore_mem>>)
      %dma_wait3A_120 = arith.constant 0 : i32
      %dma_wait3A_121 = arith.constant 0 : i32
      %dma_wait3A_122 = tpu.memref_slice %arg2[%add3A, %dma_wait3A_120, %dma_wait3A_121] : memref<32x5x128xi32, #tpu.memory_space<hbm>> -> memref<1x5x128xi32, #tpu.memory_space<hbm>>
      %dma_wait3A_123 = tpu.memref_squeeze %dma_wait3A_122 : memref<1x5x128xi32, #tpu.memory_space<hbm>> -> memref<5x128xi32, #tpu.memory_space<hbm>>
      %dma_wait3A_124 = arith.constant 0 : i32
      %dma_wait3A_125 = arith.constant 0 : i32
      %dma_wait3A_126 = tpu.memref_slice %arg2[%add3A, %dma_wait3A_124, %dma_wait3A_125] : memref<32x5x128xi32, #tpu.memory_space<hbm>> -> memref<1x5x128xi32, #tpu.memory_space<hbm>>
      %dma_wait3A_127 = tpu.memref_squeeze %dma_wait3A_126 : memref<1x5x128xi32, #tpu.memory_space<hbm>> -> memref<5x128xi32, #tpu.memory_space<hbm>>
      tpu.wait_dma2 semaphore(%run_scoped3A : memref<!tpu.dma_semaphore, #tpu.memory_space<semaphore_mem>>) src(%dma_wait3A_127 : memref<5x128xi32, #tpu.memory_space<hbm>>) dst(%arg7 : memref<5x128xi32, #tpu.memory_space<vmem>>)
      tpu.yield
    }) : () -> ()
    "tpu.region"() ({
      %run_scoped3A = tpu.sem_alloc : memref<!tpu.dma_semaphore, #tpu.memory_space<semaphore_mem>>
      %dma_start3A_112 = tpu.memref_slice %arg3[%mul3A_2] : memref<1024xi32, #tpu.memory_space<hbm>> -> memref<32xi32, #tpu.memory_space<hbm>>
      %dma_start3A_113 = tpu.memref_slice %arg3[%mul3A_2] : memref<1024xi32, #tpu.memory_space<hbm>> -> memref<32xi32, #tpu.memory_space<hbm>>
      tpu.enqueue_dma source(%dma_start3A_113 : memref<32xi32, #tpu.memory_space<hbm>>) target(%arg8 : memref<32xi32, #tpu.memory_space<vmem>>) target_semaphore(%run_scoped3A : memref<!tpu.dma_semaphore, #tpu.memory_space<semaphore_mem>>)
      %dma_wait3A_114 = tpu.memref_slice %arg3[%mul3A_2] : memref<1024xi32, #tpu.memory_space<hbm>> -> memref<32xi32, #tpu.memory_space<hbm>>
      %dma_wait3A_115 = tpu.memref_slice %arg3[%mul3A_2] : memref<1024xi32, #tpu.memory_space<hbm>> -> memref<32xi32, #tpu.memory_space<hbm>>
      tpu.wait_dma2 semaphore(%run_scoped3A : memref<!tpu.dma_semaphore, #tpu.memory_space<semaphore_mem>>) src(%dma_wait3A_115 : memref<32xi32, #tpu.memory_space<hbm>>) dst(%arg8 : memref<32xi32, #tpu.memory_space<vmem>>)
      tpu.yield
    }) : () -> ()
    %dma_start3A = arith.constant 0 : i32
    %dma_start3A_3 = arith.constant 0 : i32
    %dma_start3A_4 = arith.constant 0 : i32
    %dma_start3A_5 = tpu.memref_slice %arg9[%dma_start3A_3, %dma_start3A_4] : memref<640x128xf32, #tpu.memory_space<vmem>> -> memref<128x128xf32, #tpu.memory_space<vmem>>
    %dma_start3A_6 = arith.constant 0 : i32
    %dma_start3A_7 = tpu.memref_slice %arg7[%dma_start3A, %dma_start3A_6] : memref<5x128xi32, #tpu.memory_space<vmem>> -> memref<1x128xi32, #tpu.memory_space<vmem>>
    %dma_start3A_8 = tpu.memref_squeeze %dma_start3A_7 : memref<1x128xi32, #tpu.memory_space<vmem>> -> memref<128xi32, #tpu.memory_space<vmem>>
    %dma_start3A_9 = arith.constant 0 : i32
    %dma_start3A_10 = arith.constant 0 : i32
    %dma_start3A_11 = tpu.memref_slice %arg4[%dma_start3A_9, %dma_start3A_10] : memref<100000x128xf32, #tpu.memory_space<hbm>> -> memref<100000x128xf32, #tpu.memory_space<hbm>>
    tpu.enqueue_indirect_dma source(%dma_start3A_11 : memref<100000x128xf32, #tpu.memory_space<hbm>>) target(%dma_start3A_5 : memref<128x128xf32, #tpu.memory_space<vmem>>) offsets(%dma_start3A_8 : memref<128xi32, #tpu.memory_space<vmem>>) semaphore(%arg12 : memref<!tpu.dma_semaphore, #tpu.memory_space<semaphore_mem>>)
    %dma_start3A_12 = arith.constant 1 : i32
    %dma_start3A_13 = arith.constant 128 : i32
    %dma_start3A_14 = arith.constant 0 : i32
    %dma_start3A_15 = tpu.memref_slice %arg9[%dma_start3A_13, %dma_start3A_14] : memref<640x128xf32, #tpu.memory_space<vmem>> -> memref<128x128xf32, #tpu.memory_space<vmem>>
    %dma_start3A_16 = arith.constant 0 : i32
    %dma_start3A_17 = tpu.memref_slice %arg7[%dma_start3A_12, %dma_start3A_16] : memref<5x128xi32, #tpu.memory_space<vmem>> -> memref<1x128xi32, #tpu.memory_space<vmem>>
    %dma_start3A_18 = tpu.memref_squeeze %dma_start3A_17 : memref<1x128xi32, #tpu.memory_space<vmem>> -> memref<128xi32, #tpu.memory_space<vmem>>
    %dma_start3A_19 = arith.constant 0 : i32
    %dma_start3A_20 = arith.constant 0 : i32
    %dma_start3A_21 = tpu.memref_slice %arg4[%dma_start3A_19, %dma_start3A_20] : memref<100000x128xf32, #tpu.memory_space<hbm>> -> memref<100000x128xf32, #tpu.memory_space<hbm>>
    tpu.enqueue_indirect_dma source(%dma_start3A_21 : memref<100000x128xf32, #tpu.memory_space<hbm>>) target(%dma_start3A_15 : memref<128x128xf32, #tpu.memory_space<vmem>>) offsets(%dma_start3A_18 : memref<128xi32, #tpu.memory_space<vmem>>) semaphore(%arg12 : memref<!tpu.dma_semaphore, #tpu.memory_space<semaphore_mem>>)
    %dma_start3A_22 = arith.constant 2 : i32
    %dma_start3A_23 = arith.constant 256 : i32
    %dma_start3A_24 = arith.constant 0 : i32
    %dma_start3A_25 = tpu.memref_slice %arg9[%dma_start3A_23, %dma_start3A_24] : memref<640x128xf32, #tpu.memory_space<vmem>> -> memref<128x128xf32, #tpu.memory_space<vmem>>
    %dma_start3A_26 = arith.constant 0 : i32
    %dma_start3A_27 = tpu.memref_slice %arg7[%dma_start3A_22, %dma_start3A_26] : memref<5x128xi32, #tpu.memory_space<vmem>> -> memref<1x128xi32, #tpu.memory_space<vmem>>
    %dma_start3A_28 = tpu.memref_squeeze %dma_start3A_27 : memref<1x128xi32, #tpu.memory_space<vmem>> -> memref<128xi32, #tpu.memory_space<vmem>>
    %dma_start3A_29 = arith.constant 0 : i32
    %dma_start3A_30 = arith.constant 0 : i32
    %dma_start3A_31 = tpu.memref_slice %arg4[%dma_start3A_29, %dma_start3A_30] : memref<100000x128xf32, #tpu.memory_space<hbm>> -> memref<100000x128xf32, #tpu.memory_space<hbm>>
    tpu.enqueue_indirect_dma source(%dma_start3A_31 : memref<100000x128xf32, #tpu.memory_space<hbm>>) target(%dma_start3A_25 : memref<128x128xf32, #tpu.memory_space<vmem>>) offsets(%dma_start3A_28 : memref<128xi32, #tpu.memory_space<vmem>>) semaphore(%arg12 : memref<!tpu.dma_semaphore, #tpu.memory_space<semaphore_mem>>)
    %dma_start3A_32 = arith.constant 3 : i32
    %dma_start3A_33 = arith.constant 384 : i32
    %dma_start3A_34 = arith.constant 0 : i32
    %dma_start3A_35 = tpu.memref_slice %arg9[%dma_start3A_33, %dma_start3A_34] : memref<640x128xf32, #tpu.memory_space<vmem>> -> memref<128x128xf32, #tpu.memory_space<vmem>>
    %dma_start3A_36 = arith.constant 0 : i32
    %dma_start3A_37 = tpu.memref_slice %arg7[%dma_start3A_32, %dma_start3A_36] : memref<5x128xi32, #tpu.memory_space<vmem>> -> memref<1x128xi32, #tpu.memory_space<vmem>>
    %dma_start3A_38 = tpu.memref_squeeze %dma_start3A_37 : memref<1x128xi32, #tpu.memory_space<vmem>> -> memref<128xi32, #tpu.memory_space<vmem>>
    %dma_start3A_39 = arith.constant 0 : i32
    %dma_start3A_40 = arith.constant 0 : i32
    %dma_start3A_41 = tpu.memref_slice %arg4[%dma_start3A_39, %dma_start3A_40] : memref<100000x128xf32, #tpu.memory_space<hbm>> -> memref<100000x128xf32, #tpu.memory_space<hbm>>
    tpu.enqueue_indirect_dma source(%dma_start3A_41 : memref<100000x128xf32, #tpu.memory_space<hbm>>) target(%dma_start3A_35 : memref<128x128xf32, #tpu.memory_space<vmem>>) offsets(%dma_start3A_38 : memref<128xi32, #tpu.memory_space<vmem>>) semaphore(%arg12 : memref<!tpu.dma_semaphore, #tpu.memory_space<semaphore_mem>>)
    %dma_start3A_42 = arith.constant 4 : i32
    %dma_start3A_43 = arith.constant 512 : i32
    %dma_start3A_44 = arith.constant 0 : i32
    %dma_start3A_45 = tpu.memref_slice %arg9[%dma_start3A_43, %dma_start3A_44] : memref<640x128xf32, #tpu.memory_space<vmem>> -> memref<128x128xf32, #tpu.memory_space<vmem>>
    %dma_start3A_46 = arith.constant 0 : i32
    %dma_start3A_47 = tpu.memref_slice %arg7[%dma_start3A_42, %dma_start3A_46] : memref<5x128xi32, #tpu.memory_space<vmem>> -> memref<1x128xi32, #tpu.memory_space<vmem>>
    %dma_start3A_48 = tpu.memref_squeeze %dma_start3A_47 : memref<1x128xi32, #tpu.memory_space<vmem>> -> memref<128xi32, #tpu.memory_space<vmem>>
    %dma_start3A_49 = arith.constant 0 : i32
    %dma_start3A_50 = arith.constant 0 : i32
    %dma_start3A_51 = tpu.memref_slice %arg4[%dma_start3A_49, %dma_start3A_50] : memref<100000x128xf32, #tpu.memory_space<hbm>> -> memref<100000x128xf32, #tpu.memory_space<hbm>>
    tpu.enqueue_indirect_dma source(%dma_start3A_51 : memref<100000x128xf32, #tpu.memory_space<hbm>>) target(%dma_start3A_45 : memref<128x128xf32, #tpu.memory_space<vmem>>) offsets(%dma_start3A_48 : memref<128xi32, #tpu.memory_space<vmem>>) semaphore(%arg12 : memref<!tpu.dma_semaphore, #tpu.memory_space<semaphore_mem>>)
    %dma_start3A_52 = arith.constant 0 : i32
    %dma_start3A_53 = arith.constant 0 : i32
    %dma_start3A_54 = tpu.memref_slice %arg5[%dma_start3A_52, %dma_start3A_53] : memref<100000x128xf32, #tpu.memory_space<hbm>> -> memref<100000x128xf32, #tpu.memory_space<hbm>>
    tpu.enqueue_indirect_dma source(%dma_start3A_54 : memref<100000x128xf32, #tpu.memory_space<hbm>>) target(%arg10 : memref<32x128xf32, #tpu.memory_space<vmem>>) offsets(%arg8 : memref<32xi32, #tpu.memory_space<vmem>>) semaphore(%arg12 : memref<!tpu.dma_semaphore, #tpu.memory_space<semaphore_mem>>)
    %dma_wait3A = arith.constant 0 : i32
    %dma_wait3A_55 = arith.constant 0 : i32
    %dma_wait3A_56 = arith.constant 0 : i32
    %dma_wait3A_57 = tpu.memref_slice %arg9[%dma_wait3A_55, %dma_wait3A_56] : memref<640x128xf32, #tpu.memory_space<vmem>> -> memref<128x128xf32, #tpu.memory_space<vmem>>
    %dma_wait3A_58 = arith.constant 0 : i32
    %dma_wait3A_59 = tpu.memref_slice %arg7[%dma_wait3A, %dma_wait3A_58] : memref<5x128xi32, #tpu.memory_space<vmem>> -> memref<1x128xi32, #tpu.memory_space<vmem>>
    %dma_wait3A_60 = tpu.memref_squeeze %dma_wait3A_59 : memref<1x128xi32, #tpu.memory_space<vmem>> -> memref<128xi32, #tpu.memory_space<vmem>>
    %dma_wait3A_61 = arith.constant 0 : i32
    %dma_wait3A_62 = arith.constant 0 : i32
    %dma_wait3A_63 = tpu.memref_slice %arg4[%dma_wait3A_61, %dma_wait3A_62] : memref<100000x128xf32, #tpu.memory_space<hbm>> -> memref<100000x128xf32, #tpu.memory_space<hbm>>
    tpu.wait_indirect_dma semaphore(%arg12 : memref<!tpu.dma_semaphore, #tpu.memory_space<semaphore_mem>>) src(%dma_wait3A_63 : memref<100000x128xf32, #tpu.memory_space<hbm>>) dst(%dma_wait3A_57 : memref<128x128xf32, #tpu.memory_space<vmem>>)
    %dma_wait3A_64 = arith.constant 1 : i32
    %dma_wait3A_65 = arith.constant 128 : i32
    %dma_wait3A_66 = arith.constant 0 : i32
    %dma_wait3A_67 = tpu.memref_slice %arg9[%dma_wait3A_65, %dma_wait3A_66] : memref<640x128xf32, #tpu.memory_space<vmem>> -> memref<128x128xf32, #tpu.memory_space<vmem>>
    %dma_wait3A_68 = arith.constant 0 : i32
    %dma_wait3A_69 = tpu.memref_slice %arg7[%dma_wait3A_64, %dma_wait3A_68] : memref<5x128xi32, #tpu.memory_space<vmem>> -> memref<1x128xi32, #tpu.memory_space<vmem>>
    %dma_wait3A_70 = tpu.memref_squeeze %dma_wait3A_69 : memref<1x128xi32, #tpu.memory_space<vmem>> -> memref<128xi32, #tpu.memory_space<vmem>>
    %dma_wait3A_71 = arith.constant 0 : i32
    %dma_wait3A_72 = arith.constant 0 : i32
    %dma_wait3A_73 = tpu.memref_slice %arg4[%dma_wait3A_71, %dma_wait3A_72] : memref<100000x128xf32, #tpu.memory_space<hbm>> -> memref<100000x128xf32, #tpu.memory_space<hbm>>
    tpu.wait_indirect_dma semaphore(%arg12 : memref<!tpu.dma_semaphore, #tpu.memory_space<semaphore_mem>>) src(%dma_wait3A_73 : memref<100000x128xf32, #tpu.memory_space<hbm>>) dst(%dma_wait3A_67 : memref<128x128xf32, #tpu.memory_space<vmem>>)
    %dma_wait3A_74 = arith.constant 2 : i32
    %dma_wait3A_75 = arith.constant 256 : i32
    %dma_wait3A_76 = arith.constant 0 : i32
    %dma_wait3A_77 = tpu.memref_slice %arg9[%dma_wait3A_75, %dma_wait3A_76] : memref<640x128xf32, #tpu.memory_space<vmem>> -> memref<128x128xf32, #tpu.memory_space<vmem>>
    %dma_wait3A_78 = arith.constant 0 : i32
    %dma_wait3A_79 = tpu.memref_slice %arg7[%dma_wait3A_74, %dma_wait3A_78] : memref<5x128xi32, #tpu.memory_space<vmem>> -> memref<1x128xi32, #tpu.memory_space<vmem>>
    %dma_wait3A_80 = tpu.memref_squeeze %dma_wait3A_79 : memref<1x128xi32, #tpu.memory_space<vmem>> -> memref<128xi32, #tpu.memory_space<vmem>>
    %dma_wait3A_81 = arith.constant 0 : i32
    %dma_wait3A_82 = arith.constant 0 : i32
    %dma_wait3A_83 = tpu.memref_slice %arg4[%dma_wait3A_81, %dma_wait3A_82] : memref<100000x128xf32, #tpu.memory_space<hbm>> -> memref<100000x128xf32, #tpu.memory_space<hbm>>
    tpu.wait_indirect_dma semaphore(%arg12 : memref<!tpu.dma_semaphore, #tpu.memory_space<semaphore_mem>>) src(%dma_wait3A_83 : memref<100000x128xf32, #tpu.memory_space<hbm>>) dst(%dma_wait3A_77 : memref<128x128xf32, #tpu.memory_space<vmem>>)
    %dma_wait3A_84 = arith.constant 3 : i32
    %dma_wait3A_85 = arith.constant 384 : i32
    %dma_wait3A_86 = arith.constant 0 : i32
    %dma_wait3A_87 = tpu.memref_slice %arg9[%dma_wait3A_85, %dma_wait3A_86] : memref<640x128xf32, #tpu.memory_space<vmem>> -> memref<128x128xf32, #tpu.memory_space<vmem>>
    %dma_wait3A_88 = arith.constant 0 : i32
    %dma_wait3A_89 = tpu.memref_slice %arg7[%dma_wait3A_84, %dma_wait3A_88] : memref<5x128xi32, #tpu.memory_space<vmem>> -> memref<1x128xi32, #tpu.memory_space<vmem>>
    %dma_wait3A_90 = tpu.memref_squeeze %dma_wait3A_89 : memref<1x128xi32, #tpu.memory_space<vmem>> -> memref<128xi32, #tpu.memory_space<vmem>>
    %dma_wait3A_91 = arith.constant 0 : i32
    %dma_wait3A_92 = arith.constant 0 : i32
    %dma_wait3A_93 = tpu.memref_slice %arg4[%dma_wait3A_91, %dma_wait3A_92] : memref<100000x128xf32, #tpu.memory_space<hbm>> -> memref<100000x128xf32, #tpu.memory_space<hbm>>
    tpu.wait_indirect_dma semaphore(%arg12 : memref<!tpu.dma_semaphore, #tpu.memory_space<semaphore_mem>>) src(%dma_wait3A_93 : memref<100000x128xf32, #tpu.memory_space<hbm>>) dst(%dma_wait3A_87 : memref<128x128xf32, #tpu.memory_space<vmem>>)
    %dma_wait3A_94 = arith.constant 4 : i32
    %dma_wait3A_95 = arith.constant 512 : i32
    %dma_wait3A_96 = arith.constant 0 : i32
    %dma_wait3A_97 = tpu.memref_slice %arg9[%dma_wait3A_95, %dma_wait3A_96] : memref<640x128xf32, #tpu.memory_space<vmem>> -> memref<128x128xf32, #tpu.memory_space<vmem>>
    %dma_wait3A_98 = arith.constant 0 : i32
    %dma_wait3A_99 = tpu.memref_slice %arg7[%dma_wait3A_94, %dma_wait3A_98] : memref<5x128xi32, #tpu.memory_space<vmem>> -> memref<1x128xi32, #tpu.memory_space<vmem>>
    %dma_wait3A_100 = tpu.memref_squeeze %dma_wait3A_99 : memref<1x128xi32, #tpu.memory_space<vmem>> -> memref<128xi32, #tpu.memory_space<vmem>>
    %dma_wait3A_101 = arith.constant 0 : i32
    %dma_wait3A_102 = arith.constant 0 : i32
    %dma_wait3A_103 = tpu.memref_slice %arg4[%dma_wait3A_101, %dma_wait3A_102] : memref<100000x128xf32, #tpu.memory_space<hbm>> -> memref<100000x128xf32, #tpu.memory_space<hbm>>
    tpu.wait_indirect_dma semaphore(%arg12 : memref<!tpu.dma_semaphore, #tpu.memory_space<semaphore_mem>>) src(%dma_wait3A_103 : memref<100000x128xf32, #tpu.memory_space<hbm>>) dst(%dma_wait3A_97 : memref<128x128xf32, #tpu.memory_space<vmem>>)
    %dma_wait3A_104 = arith.constant 0 : i32
    %dma_wait3A_105 = arith.constant 0 : i32
    %dma_wait3A_106 = tpu.memref_slice %arg5[%dma_wait3A_104, %dma_wait3A_105] : memref<100000x128xf32, #tpu.memory_space<hbm>> -> memref<100000x128xf32, #tpu.memory_space<hbm>>
    tpu.wait_indirect_dma semaphore(%arg12 : memref<!tpu.dma_semaphore, #tpu.memory_space<semaphore_mem>>) src(%dma_wait3A_106 : memref<100000x128xf32, #tpu.memory_space<hbm>>) dst(%arg10 : memref<32x128xf32, #tpu.memory_space<vmem>>)
    %scan3A = arith.constant 0 : i32
    %scan3A_107 = arith.constant 0 : i32
    %scan3A_108 = arith.constant 32 : i32
    %scan3A_109 = arith.addi %scan3A_107, %scan3A_108 : i32
    %scan3A_110 = arith.constant 1 : i32
    scf.for %scan3A_112 = %scan3A_107 to %scan3A_109 step %scan3A_110  : i32 {
      %get3A = arith.index_cast %scan3A_112 : i32 to index
      %get3A_113 = arith.constant 0 : index
      %get3A_114 = tpu.vector_load %arg10[%get3A, %get3A_113] {strides = array<i32>} : memref<32x128xf32, #tpu.memory_space<vmem>>, vector<1x16xf32>,
      %get3A_115 = vector.shape_cast %get3A_114 : vector<1x16xf32> to vector<16xf32>
      %get3A_116 = arith.index_cast %scan3A_112 : i32 to index
      %get3A_117 = arith.constant 16 : index
      %get3A_118 = tpu.vector_load %arg10[%get3A_116, %get3A_117] {strides = array<i32>} : memref<32x128xf32, #tpu.memory_space<vmem>>, vector<1x16xf32>,
      %get3A_119 = vector.shape_cast %get3A_118 : vector<1x16xf32> to vector<16xf32>
      %get3A_120 = arith.index_cast %scan3A_112 : i32 to index
      %get3A_121 = arith.constant 32 : index
      %get3A_122 = tpu.vector_load %arg10[%get3A_120, %get3A_121] {strides = array<i32>} : memref<32x128xf32, #tpu.memory_space<vmem>>, vector<1x16xf32>,
      %get3A_123 = vector.shape_cast %get3A_122 : vector<1x16xf32> to vector<16xf32>
      %get3A_124 = arith.index_cast %scan3A_112 : i32 to index
      %get3A_125 = arith.constant 48 : index
      %get3A_126 = tpu.vector_load %arg10[%get3A_124, %get3A_125] {strides = array<i32>} : memref<32x128xf32, #tpu.memory_space<vmem>>, vector<1x16xf32>,
      %get3A_127 = vector.shape_cast %get3A_126 : vector<1x16xf32> to vector<16xf32>
      %get3A_128 = arith.index_cast %scan3A_112 : i32 to index
      %get3A_129 = arith.constant 64 : index
      %get3A_130 = tpu.vector_load %arg10[%get3A_128, %get3A_129] {strides = array<i32>} : memref<32x128xf32, #tpu.memory_space<vmem>>, vector<1x16xf32>,
      %get3A_131 = vector.shape_cast %get3A_130 : vector<1x16xf32> to vector<16xf32>
      %get3A_132 = arith.index_cast %scan3A_112 : i32 to index
      %get3A_133 = arith.constant 80 : index
      %get3A_134 = tpu.vector_load %arg10[%get3A_132, %get3A_133] {strides = array<i32>} : memref<32x128xf32, #tpu.memory_space<vmem>>, vector<1x16xf32>,
      %get3A_135 = vector.shape_cast %get3A_134 : vector<1x16xf32> to vector<16xf32>
      %get3A_136 = arith.index_cast %scan3A_112 : i32 to index
      %get3A_137 = arith.constant 96 : index
      %get3A_138 = tpu.vector_load %arg10[%get3A_136, %get3A_137] {strides = array<i32>} : memref<32x128xf32, #tpu.memory_space<vmem>>, vector<1x16xf32>,
      %get3A_139 = vector.shape_cast %get3A_138 : vector<1x16xf32> to vector<16xf32>
      %get3A_140 = arith.index_cast %scan3A_112 : i32 to index
      %get3A_141 = arith.constant 112 : index
      %get3A_142 = tpu.vector_load %arg10[%get3A_140, %get3A_141] {strides = array<i32>} : memref<32x128xf32, #tpu.memory_space<vmem>>, vector<1x16xf32>,
      %get3A_143 = vector.shape_cast %get3A_142 : vector<1x16xf32> to vector<16xf32>
      %mul3A_144 = arith.constant 20 : i32
      %mul3A_145 = arith.muli %scan3A_112, %mul3A_144 : i32
      %add3A_146 = arith.constant 0 : i32
      %add3A_147 = arith.addi %mul3A_145, %add3A_146 : i32
      %get3A_148 = arith.index_cast %add3A_147 : i32 to index
      %get3A_149 = arith.constant 0 : index
      %get3A_150 = tpu.vector_load %arg9[%get3A_148, %get3A_149] {strides = array<i32>} : memref<640x128xf32, #tpu.memory_space<vmem>>, vector<1x16xf32>,
      %get3A_151 = vector.shape_cast %get3A_150 : vector<1x16xf32> to vector<16xf32>
      %add3A_152 = arith.addf %get3A_115, %get3A_151 : vector<16xf32>
      %get3A_153 = arith.index_cast %add3A_147 : i32 to index
      %get3A_154 = arith.constant 16 : index
      %get3A_155 = tpu.vector_load %arg9[%get3A_153, %get3A_154] {strides = array<i32>} : memref<640x128xf32, #tpu.memory_space<vmem>>, vector<1x16xf32>,
      %get3A_156 = vector.shape_cast %get3A_155 : vector<1x16xf32> to vector<16xf32>
      %add3A_157 = arith.addf %get3A_119, %get3A_156 : vector<16xf32>
      %get3A_158 = arith.index_cast %add3A_147 : i32 to index
      %get3A_159 = arith.constant 32 : index
      %get3A_160 = tpu.vector_load %arg9[%get3A_158, %get3A_159] {strides = array<i32>} : memref<640x128xf32, #tpu.memory_space<vmem>>, vector<1x16xf32>,
      %get3A_161 = vector.shape_cast %get3A_160 : vector<1x16xf32> to vector<16xf32>
      %add3A_162 = arith.addf %get3A_123, %get3A_161 : vector<16xf32>
      %get3A_163 = arith.index_cast %add3A_147 : i32 to index
      %get3A_164 = arith.constant 48 : index
      %get3A_165 = tpu.vector_load %arg9[%get3A_163, %get3A_164] {strides = array<i32>} : memref<640x128xf32, #tpu.memory_space<vmem>>, vector<1x16xf32>,
      %get3A_166 = vector.shape_cast %get3A_165 : vector<1x16xf32> to vector<16xf32>
      %add3A_167 = arith.addf %get3A_127, %get3A_166 : vector<16xf32>
      %get3A_168 = arith.index_cast %add3A_147 : i32 to index
      %get3A_169 = arith.constant 64 : index
      %get3A_170 = tpu.vector_load %arg9[%get3A_168, %get3A_169] {strides = array<i32>} : memref<640x128xf32, #tpu.memory_space<vmem>>, vector<1x16xf32>,
      %get3A_171 = vector.shape_cast %get3A_170 : vector<1x16xf32> to vector<16xf32>
      %add3A_172 = arith.addf %get3A_131, %get3A_171 : vector<16xf32>
      %get3A_173 = arith.index_cast %add3A_147 : i32 to index
      %get3A_174 = arith.constant 80 : index
      %get3A_175 = tpu.vector_load %arg9[%get3A_173, %get3A_174] {strides = array<i32>} : memref<640x128xf32, #tpu.memory_space<vmem>>, vector<1x16xf32>,
      %get3A_176 = vector.shape_cast %get3A_175 : vector<1x16xf32> to vector<16xf32>
      %add3A_177 = arith.addf %get3A_135, %get3A_176 : vector<16xf32>
      %get3A_178 = arith.index_cast %add3A_147 : i32 to index
      %get3A_179 = arith.constant 96 : index
      %get3A_180 = tpu.vector_load %arg9[%get3A_178, %get3A_179] {strides = array<i32>} : memref<640x128xf32, #tpu.memory_space<vmem>>, vector<1x16xf32>,
      %get3A_181 = vector.shape_cast %get3A_180 : vector<1x16xf32> to vector<16xf32>
      %add3A_182 = arith.addf %get3A_139, %get3A_181 : vector<16xf32>
      %get3A_183 = arith.index_cast %add3A_147 : i32 to index
      %get3A_184 = arith.constant 112 : index
      %get3A_185 = tpu.vector_load %arg9[%get3A_183, %get3A_184] {strides = array<i32>} : memref<640x128xf32, #tpu.memory_space<vmem>>, vector<1x16xf32>,
      %get3A_186 = vector.shape_cast %get3A_185 : vector<1x16xf32> to vector<16xf32>
      %add3A_187 = arith.addf %get3A_143, %get3A_186 : vector<16xf32>
      %mul3A_188 = arith.constant 20 : i32
      %mul3A_189 = arith.muli %scan3A_112, %mul3A_188 : i32
      %add3A_190 = arith.constant 1 : i32
      %add3A_191 = arith.addi %mul3A_189, %add3A_190 : i32
      %get3A_192 = arith.index_cast %add3A_191 : i32 to index
      %get3A_193 = arith.constant 0 : index
      %get3A_194 = tpu.vector_load %arg9[%get3A_192, %get3A_193] {strides = array<i32>} : memref<640x128xf32, #tpu.memory_space<vmem>>, vector<1x16xf32>,
      %get3A_195 = vector.shape_cast %get3A_194 : vector<1x16xf32> to vector<16xf32>
      %add3A_196 = arith.addf %add3A_152, %get3A_195 : vector<16xf32>
      %get3A_197 = arith.index_cast %add3A_191 : i32 to index
      %get3A_198 = arith.constant 16 : index
      %get3A_199 = tpu.vector_load %arg9[%get3A_197, %get3A_198] {strides = array<i32>} : memref<640x128xf32, #tpu.memory_space<vmem>>, vector<1x16xf32>,
      %get3A_200 = vector.shape_cast %get3A_199 : vector<1x16xf32> to vector<16xf32>
      %add3A_201 = arith.addf %add3A_157, %get3A_200 : vector<16xf32>
      %get3A_202 = arith.index_cast %add3A_191 : i32 to index
      %get3A_203 = arith.constant 32 : index
      %get3A_204 = tpu.vector_load %arg9[%get3A_202, %get3A_203] {strides = array<i32>} : memref<640x128xf32, #tpu.memory_space<vmem>>, vector<1x16xf32>,
      %get3A_205 = vector.shape_cast %get3A_204 : vector<1x16xf32> to vector<16xf32>
      %add3A_206 = arith.addf %add3A_162, %get3A_205 : vector<16xf32>
      %get3A_207 = arith.index_cast %add3A_191 : i32 to index
      %get3A_208 = arith.constant 48 : index
      %get3A_209 = tpu.vector_load %arg9[%get3A_207, %get3A_208] {strides = array<i32>} : memref<640x128xf32, #tpu.memory_space<vmem>>, vector<1x16xf32>,
      %get3A_210 = vector.shape_cast %get3A_209 : vector<1x16xf32> to vector<16xf32>
      %add3A_211 = arith.addf %add3A_167, %get3A_210 : vector<16xf32>
      %get3A_212 = arith.index_cast %add3A_191 : i32 to index
      %get3A_213 = arith.constant 64 : index
      %get3A_214 = tpu.vector_load %arg9[%get3A_212, %get3A_213] {strides = array<i32>} : memref<640x128xf32, #tpu.memory_space<vmem>>, vector<1x16xf32>,
      %get3A_215 = vector.shape_cast %get3A_214 : vector<1x16xf32> to vector<16xf32>
      %add3A_216 = arith.addf %add3A_172, %get3A_215 : vector<16xf32>
      %get3A_217 = arith.index_cast %add3A_191 : i32 to index
      %get3A_218 = arith.constant 80 : index
      %get3A_219 = tpu.vector_load %arg9[%get3A_217, %get3A_218] {strides = array<i32>} : memref<640x128xf32, #tpu.memory_space<vmem>>, vector<1x16xf32>,
      %get3A_220 = vector.shape_cast %get3A_219 : vector<1x16xf32> to vector<16xf32>
      %add3A_221 = arith.addf %add3A_177, %get3A_220 : vector<16xf32>
      %get3A_222 = arith.index_cast %add3A_191 : i32 to index
      %get3A_223 = arith.constant 96 : index
      %get3A_224 = tpu.vector_load %arg9[%get3A_222, %get3A_223] {strides = array<i32>} : memref<640x128xf32, #tpu.memory_space<vmem>>, vector<1x16xf32>,
      %get3A_225 = vector.shape_cast %get3A_224 : vector<1x16xf32> to vector<16xf32>
      %add3A_226 = arith.addf %add3A_182, %get3A_225 : vector<16xf32>
      %get3A_227 = arith.index_cast %add3A_191 : i32 to index
      %get3A_228 = arith.constant 112 : index
      %get3A_229 = tpu.vector_load %arg9[%get3A_227, %get3A_228] {strides = array<i32>} : memref<640x128xf32, #tpu.memory_space<vmem>>, vector<1x16xf32>,
      %get3A_230 = vector.shape_cast %get3A_229 : vector<1x16xf32> to vector<16xf32>
      %add3A_231 = arith.addf %add3A_187, %get3A_230 : vector<16xf32>
      %mul3A_232 = arith.constant 20 : i32
      %mul3A_233 = arith.muli %scan3A_112, %mul3A_232 : i32
      %add3A_234 = arith.constant 2 : i32
      %add3A_235 = arith.addi %mul3A_233, %add3A_234 : i32
      %get3A_236 = arith.index_cast %add3A_235 : i32 to index
      %get3A_237 = arith.constant 0 : index
      %get3A_238 = tpu.vector_load %arg9[%get3A_236, %get3A_237] {strides = array<i32>} : memref<640x128xf32, #tpu.memory_space<vmem>>, vector<1x16xf32>,
      %get3A_239 = vector.shape_cast %get3A_238 : vector<1x16xf32> to vector<16xf32>
      %add3A_240 = arith.addf %add3A_196, %get3A_239 : vector<16xf32>
      %get3A_241 = arith.index_cast %add3A_235 : i32 to index
      %get3A_242 = arith.constant 16 : index
      %get3A_243 = tpu.vector_load %arg9[%get3A_241, %get3A_242] {strides = array<i32>} : memref<640x128xf32, #tpu.memory_space<vmem>>, vector<1x16xf32>,
      %get3A_244 = vector.shape_cast %get3A_243 : vector<1x16xf32> to vector<16xf32>
      %add3A_245 = arith.addf %add3A_201, %get3A_244 : vector<16xf32>
      %get3A_246 = arith.index_cast %add3A_235 : i32 to index
      %get3A_247 = arith.constant 32 : index
      %get3A_248 = tpu.vector_load %arg9[%get3A_246, %get3A_247] {strides = array<i32>} : memref<640x128xf32, #tpu.memory_space<vmem>>, vector<1x16xf32>,
      %get3A_249 = vector.shape_cast %get3A_248 : vector<1x16xf32> to vector<16xf32>
      %add3A_250 = arith.addf %add3A_206, %get3A_249 : vector<16xf32>
      %get3A_251 = arith.index_cast %add3A_235 : i32 to index
      %get3A_252 = arith.constant 48 : index
      %get3A_253 = tpu.vector_load %arg9[%get3A_251, %get3A_252] {strides = array<i32>} : memref<640x128xf32, #tpu.memory_space<vmem>>, vector<1x16xf32>,
      %get3A_254 = vector.shape_cast %get3A_253 : vector<1x16xf32> to vector<16xf32>
      %add3A_255 = arith.addf %add3A_211, %get3A_254 : vector<16xf32>
      %get3A_256 = arith.index_cast %add3A_235 : i32 to index
      %get3A_257 = arith.constant 64 : index
      %get3A_258 = tpu.vector_load %arg9[%get3A_256, %get3A_257] {strides = array<i32>} : memref<640x128xf32, #tpu.memory_space<vmem>>, vector<1x16xf32>,
      %get3A_259 = vector.shape_cast %get3A_258 : vector<1x16xf32> to vector<16xf32>
      %add3A_260 = arith.addf %add3A_216, %get3A_259 : vector<16xf32>
      %get3A_261 = arith.index_cast %add3A_235 : i32 to index
      %get3A_262 = arith.constant 80 : index
      %get3A_263 = tpu.vector_load %arg9[%get3A_261, %get3A_262] {strides = array<i32>} : memref<640x128xf32, #tpu.memory_space<vmem>>, vector<1x16xf32>,
      %get3A_264 = vector.shape_cast %get3A_263 : vector<1x16xf32> to vector<16xf32>
      %add3A_265 = arith.addf %add3A_221, %get3A_264 : vector<16xf32>
      %get3A_266 = arith.index_cast %add3A_235 : i32 to index
      %get3A_267 = arith.constant 96 : index
      %get3A_268 = tpu.vector_load %arg9[%get3A_266, %get3A_267] {strides = array<i32>} : memref<640x128xf32, #tpu.memory_space<vmem>>, vector<1x16xf32>,
      %get3A_269 = vector.shape_cast %get3A_268 : vector<1x16xf32> to vector<16xf32>
      %add3A_270 = arith.addf %add3A_226, %get3A_269 : vector<16xf32>
      %get3A_271 = arith.index_cast %add3A_235 : i32 to index
      %get3A_272 = arith.constant 112 : index
      %get3A_273 = tpu.vector_load %arg9[%get3A_271, %get3A_272] {strides = array<i32>} : memref<640x128xf32, #tpu.memory_space<vmem>>, vector<1x16xf32>,
      %get3A_274 = vector.shape_cast %get3A_273 : vector<1x16xf32> to vector<16xf32>
      %add3A_275 = arith.addf %add3A_231, %get3A_274 : vector<16xf32>
      %mul3A_276 = arith.constant 20 : i32
      %mul3A_277 = arith.muli %scan3A_112, %mul3A_276 : i32
      %add3A_278 = arith.constant 3 : i32
      %add3A_279 = arith.addi %mul3A_277, %add3A_278 : i32
      %get3A_280 = arith.index_cast %add3A_279 : i32 to index
      %get3A_281 = arith.constant 0 : index
      %get3A_282 = tpu.vector_load %arg9[%get3A_280, %get3A_281] {strides = array<i32>} : memref<640x128xf32, #tpu.memory_space<vmem>>, vector<1x16xf32>,
      %get3A_283 = vector.shape_cast %get3A_282 : vector<1x16xf32> to vector<16xf32>
      %add3A_284 = arith.addf %add3A_240, %get3A_283 : vector<16xf32>
      %get3A_285 = arith.index_cast %add3A_279 : i32 to index
      %get3A_286 = arith.constant 16 : index
      %get3A_287 = tpu.vector_load %arg9[%get3A_285, %get3A_286] {strides = array<i32>} : memref<640x128xf32, #tpu.memory_space<vmem>>, vector<1x16xf32>,
      %get3A_288 = vector.shape_cast %get3A_287 : vector<1x16xf32> to vector<16xf32>
      %add3A_289 = arith.addf %add3A_245, %get3A_288 : vector<16xf32>
      %get3A_290 = arith.index_cast %add3A_279 : i32 to index
      %get3A_291 = arith.constant 32 : index
      %get3A_292 = tpu.vector_load %arg9[%get3A_290, %get3A_291] {strides = array<i32>} : memref<640x128xf32, #tpu.memory_space<vmem>>, vector<1x16xf32>,
      %get3A_293 = vector.shape_cast %get3A_292 : vector<1x16xf32> to vector<16xf32>
      %add3A_294 = arith.addf %add3A_250, %get3A_293 : vector<16xf32>
      %get3A_295 = arith.index_cast %add3A_279 : i32 to index
      %get3A_296 = arith.constant 48 : index
      %get3A_297 = tpu.vector_load %arg9[%get3A_295, %get3A_296] {strides = array<i32>} : memref<640x128xf32, #tpu.memory_space<vmem>>, vector<1x16xf32>,
      %get3A_298 = vector.shape_cast %get3A_297 : vector<1x16xf32> to vector<16xf32>
      %add3A_299 = arith.addf %add3A_255, %get3A_298 : vector<16xf32>
      %get3A_300 = arith.index_cast %add3A_279 : i32 to index
      %get3A_301 = arith.constant 64 : index
      %get3A_302 = tpu.vector_load %arg9[%get3A_300, %get3A_301] {strides = array<i32>} : memref<640x128xf32, #tpu.memory_space<vmem>>, vector<1x16xf32>,
      %get3A_303 = vector.shape_cast %get3A_302 : vector<1x16xf32> to vector<16xf32>
      %add3A_304 = arith.addf %add3A_260, %get3A_303 : vector<16xf32>
      %get3A_305 = arith.index_cast %add3A_279 : i32 to index
      %get3A_306 = arith.constant 80 : index
      %get3A_307 = tpu.vector_load %arg9[%get3A_305, %get3A_306] {strides = array<i32>} : memref<640x128xf32, #tpu.memory_space<vmem>>, vector<1x16xf32>,
      %get3A_308 = vector.shape_cast %get3A_307 : vector<1x16xf32> to vector<16xf32>
      %add3A_309 = arith.addf %add3A_265, %get3A_308 : vector<16xf32>
      %get3A_310 = arith.index_cast %add3A_279 : i32 to index
      %get3A_311 = arith.constant 96 : index
      %get3A_312 = tpu.vector_load %arg9[%get3A_310, %get3A_311] {strides = array<i32>} : memref<640x128xf32, #tpu.memory_space<vmem>>, vector<1x16xf32>,
      %get3A_313 = vector.shape_cast %get3A_312 : vector<1x16xf32> to vector<16xf32>
      %add3A_314 = arith.addf %add3A_270, %get3A_313 : vector<16xf32>
      %get3A_315 = arith.index_cast %add3A_279 : i32 to index
      %get3A_316 = arith.constant 112 : index
      %get3A_317 = tpu.vector_load %arg9[%get3A_315, %get3A_316] {strides = array<i32>} : memref<640x128xf32, #tpu.memory_space<vmem>>, vector<1x16xf32>,
      %get3A_318 = vector.shape_cast %get3A_317 : vector<1x16xf32> to vector<16xf32>
      %add3A_319 = arith.addf %add3A_275, %get3A_318 : vector<16xf32>
      %mul3A_320 = arith.constant 20 : i32
      %mul3A_321 = arith.muli %scan3A_112, %mul3A_320 : i32
      %add3A_322 = arith.constant 4 : i32
      %add3A_323 = arith.addi %mul3A_321, %add3A_322 : i32
      %get3A_324 = arith.index_cast %add3A_323 : i32 to index
      %get3A_325 = arith.constant 0 : index
      %get3A_326 = tpu.vector_load %arg9[%get3A_324, %get3A_325] {strides = array<i32>} : memref<640x128xf32, #tpu.memory_space<vmem>>, vector<1x16xf32>,
      %get3A_327 = vector.shape_cast %get3A_326 : vector<1x16xf32> to vector<16xf32>
      %add3A_328 = arith.addf %add3A_284, %get3A_327 : vector<16xf32>
      %get3A_329 = arith.index_cast %add3A_323 : i32 to index
      %get3A_330 = arith.constant 16 : index
      %get3A_331 = tpu.vector_load %arg9[%get3A_329, %get3A_330] {strides = array<i32>} : memref<640x128xf32, #tpu.memory_space<vmem>>, vector<1x16xf32>,
      %get3A_332 = vector.shape_cast %get3A_331 : vector<1x16xf32> to vector<16xf32>
      %add3A_333 = arith.addf %add3A_289, %get3A_332 : vector<16xf32>
      %get3A_334 = arith.index_cast %add3A_323 : i32 to index
      %get3A_335 = arith.constant 32 : index
      %get3A_336 = tpu.vector_load %arg9[%get3A_334, %get3A_335] {strides = array<i32>} : memref<640x128xf32, #tpu.memory_space<vmem>>, vector<1x16xf32>,
      %get3A_337 = vector.shape_cast %get3A_336 : vector<1x16xf32> to vector<16xf32>
      %add3A_338 = arith.addf %add3A_294, %get3A_337 : vector<16xf32>
      %get3A_339 = arith.index_cast %add3A_323 : i32 to index
      %get3A_340 = arith.constant 48 : index
      %get3A_341 = tpu.vector_load %arg9[%get3A_339, %get3A_340] {strides = array<i32>} : memref<640x128xf32, #tpu.memory_space<vmem>>, vector<1x16xf32>,
      %get3A_342 = vector.shape_cast %get3A_341 : vector<1x16xf32> to vector<16xf32>
      %add3A_343 = arith.addf %add3A_299, %get3A_342 : vector<16xf32>
      %get3A_344 = arith.index_cast %add3A_323 : i32 to index
      %get3A_345 = arith.constant 64 : index
      %get3A_346 = tpu.vector_load %arg9[%get3A_344, %get3A_345] {strides = array<i32>} : memref<640x128xf32, #tpu.memory_space<vmem>>, vector<1x16xf32>,
      %get3A_347 = vector.shape_cast %get3A_346 : vector<1x16xf32> to vector<16xf32>
      %add3A_348 = arith.addf %add3A_304, %get3A_347 : vector<16xf32>
      %get3A_349 = arith.index_cast %add3A_323 : i32 to index
      %get3A_350 = arith.constant 80 : index
      %get3A_351 = tpu.vector_load %arg9[%get3A_349, %get3A_350] {strides = array<i32>} : memref<640x128xf32, #tpu.memory_space<vmem>>, vector<1x16xf32>,
      %get3A_352 = vector.shape_cast %get3A_351 : vector<1x16xf32> to vector<16xf32>
      %add3A_353 = arith.addf %add3A_309, %get3A_352 : vector<16xf32>
      %get3A_354 = arith.index_cast %add3A_323 : i32 to index
      %get3A_355 = arith.constant 96 : index
      %get3A_356 = tpu.vector_load %arg9[%get3A_354, %get3A_355] {strides = array<i32>} : memref<640x128xf32, #tpu.memory_space<vmem>>, vector<1x16xf32>,
      %get3A_357 = vector.shape_cast %get3A_356 : vector<1x16xf32> to vector<16xf32>
      %add3A_358 = arith.addf %add3A_314, %get3A_357 : vector<16xf32>
      %get3A_359 = arith.index_cast %add3A_323 : i32 to index
      %get3A_360 = arith.constant 112 : index
      %get3A_361 = tpu.vector_load %arg9[%get3A_359, %get3A_360] {strides = array<i32>} : memref<640x128xf32, #tpu.memory_space<vmem>>, vector<1x16xf32>,
      %get3A_362 = vector.shape_cast %get3A_361 : vector<1x16xf32> to vector<16xf32>
      %add3A_363 = arith.addf %add3A_319, %get3A_362 : vector<16xf32>
      %mul3A_364 = arith.constant 20 : i32
      %mul3A_365 = arith.muli %scan3A_112, %mul3A_364 : i32
      %add3A_366 = arith.constant 5 : i32
      %add3A_367 = arith.addi %mul3A_365, %add3A_366 : i32
      %get3A_368 = arith.index_cast %add3A_367 : i32 to index
      %get3A_369 = arith.constant 0 : index
      %get3A_370 = tpu.vector_load %arg9[%get3A_368, %get3A_369] {strides = array<i32>} : memref<640x128xf32, #tpu.memory_space<vmem>>, vector<1x16xf32>,
      %get3A_371 = vector.shape_cast %get3A_370 : vector<1x16xf32> to vector<16xf32>
      %add3A_372 = arith.addf %add3A_328, %get3A_371 : vector<16xf32>
      %get3A_373 = arith.index_cast %add3A_367 : i32 to index
      %get3A_374 = arith.constant 16 : index
      %get3A_375 = tpu.vector_load %arg9[%get3A_373, %get3A_374] {strides = array<i32>} : memref<640x128xf32, #tpu.memory_space<vmem>>, vector<1x16xf32>,
      %get3A_376 = vector.shape_cast %get3A_375 : vector<1x16xf32> to vector<16xf32>
      %add3A_377 = arith.addf %add3A_333, %get3A_376 : vector<16xf32>
      %get3A_378 = arith.index_cast %add3A_367 : i32 to index
      %get3A_379 = arith.constant 32 : index
      %get3A_380 = tpu.vector_load %arg9[%get3A_378, %get3A_379] {strides = array<i32>} : memref<640x128xf32, #tpu.memory_space<vmem>>, vector<1x16xf32>,
      %get3A_381 = vector.shape_cast %get3A_380 : vector<1x16xf32> to vector<16xf32>
      %add3A_382 = arith.addf %add3A_338, %get3A_381 : vector<16xf32>
      %get3A_383 = arith.index_cast %add3A_367 : i32 to index
      %get3A_384 = arith.constant 48 : index
      %get3A_385 = tpu.vector_load %arg9[%get3A_383, %get3A_384] {strides = array<i32>} : memref<640x128xf32, #tpu.memory_space<vmem>>, vector<1x16xf32>,
      %get3A_386 = vector.shape_cast %get3A_385 : vector<1x16xf32> to vector<16xf32>
      %add3A_387 = arith.addf %add3A_343, %get3A_386 : vector<16xf32>
      %get3A_388 = arith.index_cast %add3A_367 : i32 to index
      %get3A_389 = arith.constant 64 : index
      %get3A_390 = tpu.vector_load %arg9[%get3A_388, %get3A_389] {strides = array<i32>} : memref<640x128xf32, #tpu.memory_space<vmem>>, vector<1x16xf32>,
      %get3A_391 = vector.shape_cast %get3A_390 : vector<1x16xf32> to vector<16xf32>
      %add3A_392 = arith.addf %add3A_348, %get3A_391 : vector<16xf32>
      %get3A_393 = arith.index_cast %add3A_367 : i32 to index
      %get3A_394 = arith.constant 80 : index
      %get3A_395 = tpu.vector_load %arg9[%get3A_393, %get3A_394] {strides = array<i32>} : memref<640x128xf32, #tpu.memory_space<vmem>>, vector<1x16xf32>,
      %get3A_396 = vector.shape_cast %get3A_395 : vector<1x16xf32> to vector<16xf32>
      %add3A_397 = arith.addf %add3A_353, %get3A_396 : vector<16xf32>
      %get3A_398 = arith.index_cast %add3A_367 : i32 to index
      %get3A_399 = arith.constant 96 : index
      %get3A_400 = tpu.vector_load %arg9[%get3A_398, %get3A_399] {strides = array<i32>} : memref<640x128xf32, #tpu.memory_space<vmem>>, vector<1x16xf32>,
      %get3A_401 = vector.shape_cast %get3A_400 : vector<1x16xf32> to vector<16xf32>
      %add3A_402 = arith.addf %add3A_358, %get3A_401 : vector<16xf32>
      %get3A_403 = arith.index_cast %add3A_367 : i32 to index
      %get3A_404 = arith.constant 112 : index
      %get3A_405 = tpu.vector_load %arg9[%get3A_403, %get3A_404] {strides = array<i32>} : memref<640x128xf32, #tpu.memory_space<vmem>>, vector<1x16xf32>,
      %get3A_406 = vector.shape_cast %get3A_405 : vector<1x16xf32> to vector<16xf32>
      %add3A_407 = arith.addf %add3A_363, %get3A_406 : vector<16xf32>
      %mul3A_408 = arith.constant 20 : i32
      %mul3A_409 = arith.muli %scan3A_112, %mul3A_408 : i32
      %add3A_410 = arith.constant 6 : i32
      %add3A_411 = arith.addi %mul3A_409, %add3A_410 : i32
      %get3A_412 = arith.index_cast %add3A_411 : i32 to index
      %get3A_413 = arith.constant 0 : index
      %get3A_414 = tpu.vector_load %arg9[%get3A_412, %get3A_413] {strides = array<i32>} : memref<640x128xf32, #tpu.memory_space<vmem>>, vector<1x16xf32>,
      %get3A_415 = vector.shape_cast %get3A_414 : vector<1x16xf32> to vector<16xf32>
      %add3A_416 = arith.addf %add3A_372, %get3A_415 : vector<16xf32>
      %get3A_417 = arith.index_cast %add3A_411 : i32 to index
      %get3A_418 = arith.constant 16 : index
      %get3A_419 = tpu.vector_load %arg9[%get3A_417, %get3A_418] {strides = array<i32>} : memref<640x128xf32, #tpu.memory_space<vmem>>, vector<1x16xf32>,
      %get3A_420 = vector.shape_cast %get3A_419 : vector<1x16xf32> to vector<16xf32>
      %add3A_421 = arith.addf %add3A_377, %get3A_420 : vector<16xf32>
      %get3A_422 = arith.index_cast %add3A_411 : i32 to index
      %get3A_423 = arith.constant 32 : index
      %get3A_424 = tpu.vector_load %arg9[%get3A_422, %get3A_423] {strides = array<i32>} : memref<640x128xf32, #tpu.memory_space<vmem>>, vector<1x16xf32>,
      %get3A_425 = vector.shape_cast %get3A_424 : vector<1x16xf32> to vector<16xf32>
      %add3A_426 = arith.addf %add3A_382, %get3A_425 : vector<16xf32>
      %get3A_427 = arith.index_cast %add3A_411 : i32 to index
      %get3A_428 = arith.constant 48 : index
      %get3A_429 = tpu.vector_load %arg9[%get3A_427, %get3A_428] {strides = array<i32>} : memref<640x128xf32, #tpu.memory_space<vmem>>, vector<1x16xf32>,
      %get3A_430 = vector.shape_cast %get3A_429 : vector<1x16xf32> to vector<16xf32>
      %add3A_431 = arith.addf %add3A_387, %get3A_430 : vector<16xf32>
      %get3A_432 = arith.index_cast %add3A_411 : i32 to index
      %get3A_433 = arith.constant 64 : index
      %get3A_434 = tpu.vector_load %arg9[%get3A_432, %get3A_433] {strides = array<i32>} : memref<640x128xf32, #tpu.memory_space<vmem>>, vector<1x16xf32>,
      %get3A_435 = vector.shape_cast %get3A_434 : vector<1x16xf32> to vector<16xf32>
      %add3A_436 = arith.addf %add3A_392, %get3A_435 : vector<16xf32>
      %get3A_437 = arith.index_cast %add3A_411 : i32 to index
      %get3A_438 = arith.constant 80 : index
      %get3A_439 = tpu.vector_load %arg9[%get3A_437, %get3A_438] {strides = array<i32>} : memref<640x128xf32, #tpu.memory_space<vmem>>, vector<1x16xf32>,
      %get3A_440 = vector.shape_cast %get3A_439 : vector<1x16xf32> to vector<16xf32>
      %add3A_441 = arith.addf %add3A_397, %get3A_440 : vector<16xf32>
      %get3A_442 = arith.index_cast %add3A_411 : i32 to index
      %get3A_443 = arith.constant 96 : index
      %get3A_444 = tpu.vector_load %arg9[%get3A_442, %get3A_443] {strides = array<i32>} : memref<640x128xf32, #tpu.memory_space<vmem>>, vector<1x16xf32>,
      %get3A_445 = vector.shape_cast %get3A_444 : vector<1x16xf32> to vector<16xf32>
      %add3A_446 = arith.addf %add3A_402, %get3A_445 : vector<16xf32>
      %get3A_447 = arith.index_cast %add3A_411 : i32 to index
      %get3A_448 = arith.constant 112 : index
      %get3A_449 = tpu.vector_load %arg9[%get3A_447, %get3A_448] {strides = array<i32>} : memref<640x128xf32, #tpu.memory_space<vmem>>, vector<1x16xf32>,
      %get3A_450 = vector.shape_cast %get3A_449 : vector<1x16xf32> to vector<16xf32>
      %add3A_451 = arith.addf %add3A_407, %get3A_450 : vector<16xf32>
      %mul3A_452 = arith.constant 20 : i32
      %mul3A_453 = arith.muli %scan3A_112, %mul3A_452 : i32
      %add3A_454 = arith.constant 7 : i32
      %add3A_455 = arith.addi %mul3A_453, %add3A_454 : i32
      %get3A_456 = arith.index_cast %add3A_455 : i32 to index
      %get3A_457 = arith.constant 0 : index
      %get3A_458 = tpu.vector_load %arg9[%get3A_456, %get3A_457] {strides = array<i32>} : memref<640x128xf32, #tpu.memory_space<vmem>>, vector<1x16xf32>,
      %get3A_459 = vector.shape_cast %get3A_458 : vector<1x16xf32> to vector<16xf32>
      %add3A_460 = arith.addf %add3A_416, %get3A_459 : vector<16xf32>
      %get3A_461 = arith.index_cast %add3A_455 : i32 to index
      %get3A_462 = arith.constant 16 : index
      %get3A_463 = tpu.vector_load %arg9[%get3A_461, %get3A_462] {strides = array<i32>} : memref<640x128xf32, #tpu.memory_space<vmem>>, vector<1x16xf32>,
      %get3A_464 = vector.shape_cast %get3A_463 : vector<1x16xf32> to vector<16xf32>
      %add3A_465 = arith.addf %add3A_421, %get3A_464 : vector<16xf32>
      %get3A_466 = arith.index_cast %add3A_455 : i32 to index
      %get3A_467 = arith.constant 32 : index
      %get3A_468 = tpu.vector_load %arg9[%get3A_466, %get3A_467] {strides = array<i32>} : memref<640x128xf32, #tpu.memory_space<vmem>>, vector<1x16xf32>,
      %get3A_469 = vector.shape_cast %get3A_468 : vector<1x16xf32> to vector<16xf32>
      %add3A_470 = arith.addf %add3A_426, %get3A_469 : vector<16xf32>
      %get3A_471 = arith.index_cast %add3A_455 : i32 to index
      %get3A_472 = arith.constant 48 : index
      %get3A_473 = tpu.vector_load %arg9[%get3A_471, %get3A_472] {strides = array<i32>} : memref<640x128xf32, #tpu.memory_space<vmem>>, vector<1x16xf32>,
      %get3A_474 = vector.shape_cast %get3A_473 : vector<1x16xf32> to vector<16xf32>
      %add3A_475 = arith.addf %add3A_431, %get3A_474 : vector<16xf32>
      %get3A_476 = arith.index_cast %add3A_455 : i32 to index
      %get3A_477 = arith.constant 64 : index
      %get3A_478 = tpu.vector_load %arg9[%get3A_476, %get3A_477] {strides = array<i32>} : memref<640x128xf32, #tpu.memory_space<vmem>>, vector<1x16xf32>,
      %get3A_479 = vector.shape_cast %get3A_478 : vector<1x16xf32> to vector<16xf32>
      %add3A_480 = arith.addf %add3A_436, %get3A_479 : vector<16xf32>
      %get3A_481 = arith.index_cast %add3A_455 : i32 to index
      %get3A_482 = arith.constant 80 : index
      %get3A_483 = tpu.vector_load %arg9[%get3A_481, %get3A_482] {strides = array<i32>} : memref<640x128xf32, #tpu.memory_space<vmem>>, vector<1x16xf32>,
      %get3A_484 = vector.shape_cast %get3A_483 : vector<1x16xf32> to vector<16xf32>
      %add3A_485 = arith.addf %add3A_441, %get3A_484 : vector<16xf32>
      %get3A_486 = arith.index_cast %add3A_455 : i32 to index
      %get3A_487 = arith.constant 96 : index
      %get3A_488 = tpu.vector_load %arg9[%get3A_486, %get3A_487] {strides = array<i32>} : memref<640x128xf32, #tpu.memory_space<vmem>>, vector<1x16xf32>,
      %get3A_489 = vector.shape_cast %get3A_488 : vector<1x16xf32> to vector<16xf32>
      %add3A_490 = arith.addf %add3A_446, %get3A_489 : vector<16xf32>
      %get3A_491 = arith.index_cast %add3A_455 : i32 to index
      %get3A_492 = arith.constant 112 : index
      %get3A_493 = tpu.vector_load %arg9[%get3A_491, %get3A_492] {strides = array<i32>} : memref<640x128xf32, #tpu.memory_space<vmem>>, vector<1x16xf32>,
      %get3A_494 = vector.shape_cast %get3A_493 : vector<1x16xf32> to vector<16xf32>
      %add3A_495 = arith.addf %add3A_451, %get3A_494 : vector<16xf32>
      %mul3A_496 = arith.constant 20 : i32
      %mul3A_497 = arith.muli %scan3A_112, %mul3A_496 : i32
      %add3A_498 = arith.constant 8 : i32
      %add3A_499 = arith.addi %mul3A_497, %add3A_498 : i32
      %get3A_500 = arith.index_cast %add3A_499 : i32 to index
      %get3A_501 = arith.constant 0 : index
      %get3A_502 = tpu.vector_load %arg9[%get3A_500, %get3A_501] {strides = array<i32>} : memref<640x128xf32, #tpu.memory_space<vmem>>, vector<1x16xf32>,
      %get3A_503 = vector.shape_cast %get3A_502 : vector<1x16xf32> to vector<16xf32>
      %add3A_504 = arith.addf %add3A_460, %get3A_503 : vector<16xf32>
      %get3A_505 = arith.index_cast %add3A_499 : i32 to index
      %get3A_506 = arith.constant 16 : index
      %get3A_507 = tpu.vector_load %arg9[%get3A_505, %get3A_506] {strides = array<i32>} : memref<640x128xf32, #tpu.memory_space<vmem>>, vector<1x16xf32>,
      %get3A_508 = vector.shape_cast %get3A_507 : vector<1x16xf32> to vector<16xf32>
      %add3A_509 = arith.addf %add3A_465, %get3A_508 : vector<16xf32>
      %get3A_510 = arith.index_cast %add3A_499 : i32 to index
      %get3A_511 = arith.constant 32 : index
      %get3A_512 = tpu.vector_load %arg9[%get3A_510, %get3A_511] {strides = array<i32>} : memref<640x128xf32, #tpu.memory_space<vmem>>, vector<1x16xf32>,
      %get3A_513 = vector.shape_cast %get3A_512 : vector<1x16xf32> to vector<16xf32>
      %add3A_514 = arith.addf %add3A_470, %get3A_513 : vector<16xf32>
      %get3A_515 = arith.index_cast %add3A_499 : i32 to index
      %get3A_516 = arith.constant 48 : index
      %get3A_517 = tpu.vector_load %arg9[%get3A_515, %get3A_516] {strides = array<i32>} : memref<640x128xf32, #tpu.memory_space<vmem>>, vector<1x16xf32>,
      %get3A_518 = vector.shape_cast %get3A_517 : vector<1x16xf32> to vector<16xf32>
      %add3A_519 = arith.addf %add3A_475, %get3A_518 : vector<16xf32>
      %get3A_520 = arith.index_cast %add3A_499 : i32 to index
      %get3A_521 = arith.constant 64 : index
      %get3A_522 = tpu.vector_load %arg9[%get3A_520, %get3A_521] {strides = array<i32>} : memref<640x128xf32, #tpu.memory_space<vmem>>, vector<1x16xf32>,
      %get3A_523 = vector.shape_cast %get3A_522 : vector<1x16xf32> to vector<16xf32>
      %add3A_524 = arith.addf %add3A_480, %get3A_523 : vector<16xf32>
      %get3A_525 = arith.index_cast %add3A_499 : i32 to index
      %get3A_526 = arith.constant 80 : index
      %get3A_527 = tpu.vector_load %arg9[%get3A_525, %get3A_526] {strides = array<i32>} : memref<640x128xf32, #tpu.memory_space<vmem>>, vector<1x16xf32>,
      %get3A_528 = vector.shape_cast %get3A_527 : vector<1x16xf32> to vector<16xf32>
      %add3A_529 = arith.addf %add3A_485, %get3A_528 : vector<16xf32>
      %get3A_530 = arith.index_cast %add3A_499 : i32 to index
      %get3A_531 = arith.constant 96 : index
      %get3A_532 = tpu.vector_load %arg9[%get3A_530, %get3A_531] {strides = array<i32>} : memref<640x128xf32, #tpu.memory_space<vmem>>, vector<1x16xf32>,
      %get3A_533 = vector.shape_cast %get3A_532 : vector<1x16xf32> to vector<16xf32>
      %add3A_534 = arith.addf %add3A_490, %get3A_533 : vector<16xf32>
      %get3A_535 = arith.index_cast %add3A_499 : i32 to index
      %get3A_536 = arith.constant 112 : index
      %get3A_537 = tpu.vector_load %arg9[%get3A_535, %get3A_536] {strides = array<i32>} : memref<640x128xf32, #tpu.memory_space<vmem>>, vector<1x16xf32>,
      %get3A_538 = vector.shape_cast %get3A_537 : vector<1x16xf32> to vector<16xf32>
      %add3A_539 = arith.addf %add3A_495, %get3A_538 : vector<16xf32>
      %mul3A_540 = arith.constant 20 : i32
      %mul3A_541 = arith.muli %scan3A_112, %mul3A_540 : i32
      %add3A_542 = arith.constant 9 : i32
      %add3A_543 = arith.addi %mul3A_541, %add3A_542 : i32
      %get3A_544 = arith.index_cast %add3A_543 : i32 to index
      %get3A_545 = arith.constant 0 : index
      %get3A_546 = tpu.vector_load %arg9[%get3A_544, %get3A_545] {strides = array<i32>} : memref<640x128xf32, #tpu.memory_space<vmem>>, vector<1x16xf32>,
      %get3A_547 = vector.shape_cast %get3A_546 : vector<1x16xf32> to vector<16xf32>
      %add3A_548 = arith.addf %add3A_504, %get3A_547 : vector<16xf32>
      %get3A_549 = arith.index_cast %add3A_543 : i32 to index
      %get3A_550 = arith.constant 16 : index
      %get3A_551 = tpu.vector_load %arg9[%get3A_549, %get3A_550] {strides = array<i32>} : memref<640x128xf32, #tpu.memory_space<vmem>>, vector<1x16xf32>,
      %get3A_552 = vector.shape_cast %get3A_551 : vector<1x16xf32> to vector<16xf32>
      %add3A_553 = arith.addf %add3A_509, %get3A_552 : vector<16xf32>
      %get3A_554 = arith.index_cast %add3A_543 : i32 to index
      %get3A_555 = arith.constant 32 : index
      %get3A_556 = tpu.vector_load %arg9[%get3A_554, %get3A_555] {strides = array<i32>} : memref<640x128xf32, #tpu.memory_space<vmem>>, vector<1x16xf32>,
      %get3A_557 = vector.shape_cast %get3A_556 : vector<1x16xf32> to vector<16xf32>
      %add3A_558 = arith.addf %add3A_514, %get3A_557 : vector<16xf32>
      %get3A_559 = arith.index_cast %add3A_543 : i32 to index
      %get3A_560 = arith.constant 48 : index
      %get3A_561 = tpu.vector_load %arg9[%get3A_559, %get3A_560] {strides = array<i32>} : memref<640x128xf32, #tpu.memory_space<vmem>>, vector<1x16xf32>,
      %get3A_562 = vector.shape_cast %get3A_561 : vector<1x16xf32> to vector<16xf32>
      %add3A_563 = arith.addf %add3A_519, %get3A_562 : vector<16xf32>
      %get3A_564 = arith.index_cast %add3A_543 : i32 to index
      %get3A_565 = arith.constant 64 : index
      %get3A_566 = tpu.vector_load %arg9[%get3A_564, %get3A_565] {strides = array<i32>} : memref<640x128xf32, #tpu.memory_space<vmem>>, vector<1x16xf32>,
      %get3A_567 = vector.shape_cast %get3A_566 : vector<1x16xf32> to vector<16xf32>
      %add3A_568 = arith.addf %add3A_524, %get3A_567 : vector<16xf32>
      %get3A_569 = arith.index_cast %add3A_543 : i32 to index
      %get3A_570 = arith.constant 80 : index
      %get3A_571 = tpu.vector_load %arg9[%get3A_569, %get3A_570] {strides = array<i32>} : memref<640x128xf32, #tpu.memory_space<vmem>>, vector<1x16xf32>,
      %get3A_572 = vector.shape_cast %get3A_571 : vector<1x16xf32> to vector<16xf32>
      %add3A_573 = arith.addf %add3A_529, %get3A_572 : vector<16xf32>
      %get3A_574 = arith.index_cast %add3A_543 : i32 to index
      %get3A_575 = arith.constant 96 : index
      %get3A_576 = tpu.vector_load %arg9[%get3A_574, %get3A_575] {strides = array<i32>} : memref<640x128xf32, #tpu.memory_space<vmem>>, vector<1x16xf32>,
      %get3A_577 = vector.shape_cast %get3A_576 : vector<1x16xf32> to vector<16xf32>
      %add3A_578 = arith.addf %add3A_534, %get3A_577 : vector<16xf32>
      %get3A_579 = arith.index_cast %add3A_543 : i32 to index
      %get3A_580 = arith.constant 112 : index
      %get3A_581 = tpu.vector_load %arg9[%get3A_579, %get3A_580] {strides = array<i32>} : memref<640x128xf32, #tpu.memory_space<vmem>>, vector<1x16xf32>,
      %get3A_582 = vector.shape_cast %get3A_581 : vector<1x16xf32> to vector<16xf32>
      %add3A_583 = arith.addf %add3A_539, %get3A_582 : vector<16xf32>
      %mul3A_584 = arith.constant 20 : i32
      %mul3A_585 = arith.muli %scan3A_112, %mul3A_584 : i32
      %add3A_586 = arith.constant 10 : i32
      %add3A_587 = arith.addi %mul3A_585, %add3A_586 : i32
      %get3A_588 = arith.index_cast %add3A_587 : i32 to index
      %get3A_589 = arith.constant 0 : index
      %get3A_590 = tpu.vector_load %arg9[%get3A_588, %get3A_589] {strides = array<i32>} : memref<640x128xf32, #tpu.memory_space<vmem>>, vector<1x16xf32>,
      %get3A_591 = vector.shape_cast %get3A_590 : vector<1x16xf32> to vector<16xf32>
      %add3A_592 = arith.addf %add3A_548, %get3A_591 : vector<16xf32>
      %get3A_593 = arith.index_cast %add3A_587 : i32 to index
      %get3A_594 = arith.constant 16 : index
      %get3A_595 = tpu.vector_load %arg9[%get3A_593, %get3A_594] {strides = array<i32>} : memref<640x128xf32, #tpu.memory_space<vmem>>, vector<1x16xf32>,
      %get3A_596 = vector.shape_cast %get3A_595 : vector<1x16xf32> to vector<16xf32>
      %add3A_597 = arith.addf %add3A_553, %get3A_596 : vector<16xf32>
      %get3A_598 = arith.index_cast %add3A_587 : i32 to index
      %get3A_599 = arith.constant 32 : index
      %get3A_600 = tpu.vector_load %arg9[%get3A_598, %get3A_599] {strides = array<i32>} : memref<640x128xf32, #tpu.memory_space<vmem>>, vector<1x16xf32>,
      %get3A_601 = vector.shape_cast %get3A_600 : vector<1x16xf32> to vector<16xf32>
      %add3A_602 = arith.addf %add3A_558, %get3A_601 : vector<16xf32>
      %get3A_603 = arith.index_cast %add3A_587 : i32 to index
      %get3A_604 = arith.constant 48 : index
      %get3A_605 = tpu.vector_load %arg9[%get3A_603, %get3A_604] {strides = array<i32>} : memref<640x128xf32, #tpu.memory_space<vmem>>, vector<1x16xf32>,
      %get3A_606 = vector.shape_cast %get3A_605 : vector<1x16xf32> to vector<16xf32>
      %add3A_607 = arith.addf %add3A_563, %get3A_606 : vector<16xf32>
      %get3A_608 = arith.index_cast %add3A_587 : i32 to index
      %get3A_609 = arith.constant 64 : index
      %get3A_610 = tpu.vector_load %arg9[%get3A_608, %get3A_609] {strides = array<i32>} : memref<640x128xf32, #tpu.memory_space<vmem>>, vector<1x16xf32>,
      %get3A_611 = vector.shape_cast %get3A_610 : vector<1x16xf32> to vector<16xf32>
      %add3A_612 = arith.addf %add3A_568, %get3A_611 : vector<16xf32>
      %get3A_613 = arith.index_cast %add3A_587 : i32 to index
      %get3A_614 = arith.constant 80 : index
      %get3A_615 = tpu.vector_load %arg9[%get3A_613, %get3A_614] {strides = array<i32>} : memref<640x128xf32, #tpu.memory_space<vmem>>, vector<1x16xf32>,
      %get3A_616 = vector.shape_cast %get3A_615 : vector<1x16xf32> to vector<16xf32>
      %add3A_617 = arith.addf %add3A_573, %get3A_616 : vector<16xf32>
      %get3A_618 = arith.index_cast %add3A_587 : i32 to index
      %get3A_619 = arith.constant 96 : index
      %get3A_620 = tpu.vector_load %arg9[%get3A_618, %get3A_619] {strides = array<i32>} : memref<640x128xf32, #tpu.memory_space<vmem>>, vector<1x16xf32>,
      %get3A_621 = vector.shape_cast %get3A_620 : vector<1x16xf32> to vector<16xf32>
      %add3A_622 = arith.addf %add3A_578, %get3A_621 : vector<16xf32>
      %get3A_623 = arith.index_cast %add3A_587 : i32 to index
      %get3A_624 = arith.constant 112 : index
      %get3A_625 = tpu.vector_load %arg9[%get3A_623, %get3A_624] {strides = array<i32>} : memref<640x128xf32, #tpu.memory_space<vmem>>, vector<1x16xf32>,
      %get3A_626 = vector.shape_cast %get3A_625 : vector<1x16xf32> to vector<16xf32>
      %add3A_627 = arith.addf %add3A_583, %get3A_626 : vector<16xf32>
      %mul3A_628 = arith.constant 20 : i32
      %mul3A_629 = arith.muli %scan3A_112, %mul3A_628 : i32
      %add3A_630 = arith.constant 11 : i32
      %add3A_631 = arith.addi %mul3A_629, %add3A_630 : i32
      %get3A_632 = arith.index_cast %add3A_631 : i32 to index
      %get3A_633 = arith.constant 0 : index
      %get3A_634 = tpu.vector_load %arg9[%get3A_632, %get3A_633] {strides = array<i32>} : memref<640x128xf32, #tpu.memory_space<vmem>>, vector<1x16xf32>,
      %get3A_635 = vector.shape_cast %get3A_634 : vector<1x16xf32> to vector<16xf32>
      %add3A_636 = arith.addf %add3A_592, %get3A_635 : vector<16xf32>
      %get3A_637 = arith.index_cast %add3A_631 : i32 to index
      %get3A_638 = arith.constant 16 : index
      %get3A_639 = tpu.vector_load %arg9[%get3A_637, %get3A_638] {strides = array<i32>} : memref<640x128xf32, #tpu.memory_space<vmem>>, vector<1x16xf32>,
      %get3A_640 = vector.shape_cast %get3A_639 : vector<1x16xf32> to vector<16xf32>
      %add3A_641 = arith.addf %add3A_597, %get3A_640 : vector<16xf32>
      %get3A_642 = arith.index_cast %add3A_631 : i32 to index
      %get3A_643 = arith.constant 32 : index
      %get3A_644 = tpu.vector_load %arg9[%get3A_642, %get3A_643] {strides = array<i32>} : memref<640x128xf32, #tpu.memory_space<vmem>>, vector<1x16xf32>,
      %get3A_645 = vector.shape_cast %get3A_644 : vector<1x16xf32> to vector<16xf32>
      %add3A_646 = arith.addf %add3A_602, %get3A_645 : vector<16xf32>
      %get3A_647 = arith.index_cast %add3A_631 : i32 to index
      %get3A_648 = arith.constant 48 : index
      %get3A_649 = tpu.vector_load %arg9[%get3A_647, %get3A_648] {strides = array<i32>} : memref<640x128xf32, #tpu.memory_space<vmem>>, vector<1x16xf32>,
      %get3A_650 = vector.shape_cast %get3A_649 : vector<1x16xf32> to vector<16xf32>
      %add3A_651 = arith.addf %add3A_607, %get3A_650 : vector<16xf32>
      %get3A_652 = arith.index_cast %add3A_631 : i32 to index
      %get3A_653 = arith.constant 64 : index
      %get3A_654 = tpu.vector_load %arg9[%get3A_652, %get3A_653] {strides = array<i32>} : memref<640x128xf32, #tpu.memory_space<vmem>>, vector<1x16xf32>,
      %get3A_655 = vector.shape_cast %get3A_654 : vector<1x16xf32> to vector<16xf32>
      %add3A_656 = arith.addf %add3A_612, %get3A_655 : vector<16xf32>
      %get3A_657 = arith.index_cast %add3A_631 : i32 to index
      %get3A_658 = arith.constant 80 : index
      %get3A_659 = tpu.vector_load %arg9[%get3A_657, %get3A_658] {strides = array<i32>} : memref<640x128xf32, #tpu.memory_space<vmem>>, vector<1x16xf32>,
      %get3A_660 = vector.shape_cast %get3A_659 : vector<1x16xf32> to vector<16xf32>
      %add3A_661 = arith.addf %add3A_617, %get3A_660 : vector<16xf32>
      %get3A_662 = arith.index_cast %add3A_631 : i32 to index
      %get3A_663 = arith.constant 96 : index
      %get3A_664 = tpu.vector_load %arg9[%get3A_662, %get3A_663] {strides = array<i32>} : memref<640x128xf32, #tpu.memory_space<vmem>>, vector<1x16xf32>,
      %get3A_665 = vector.shape_cast %get3A_664 : vector<1x16xf32> to vector<16xf32>
      %add3A_666 = arith.addf %add3A_622, %get3A_665 : vector<16xf32>
      %get3A_667 = arith.index_cast %add3A_631 : i32 to index
      %get3A_668 = arith.constant 112 : index
      %get3A_669 = tpu.vector_load %arg9[%get3A_667, %get3A_668] {strides = array<i32>} : memref<640x128xf32, #tpu.memory_space<vmem>>, vector<1x16xf32>,
      %get3A_670 = vector.shape_cast %get3A_669 : vector<1x16xf32> to vector<16xf32>
      %add3A_671 = arith.addf %add3A_627, %get3A_670 : vector<16xf32>
      %mul3A_672 = arith.constant 20 : i32
      %mul3A_673 = arith.muli %scan3A_112, %mul3A_672 : i32
      %add3A_674 = arith.constant 12 : i32
      %add3A_675 = arith.addi %mul3A_673, %add3A_674 : i32
      %get3A_676 = arith.index_cast %add3A_675 : i32 to index
      %get3A_677 = arith.constant 0 : index
      %get3A_678 = tpu.vector_load %arg9[%get3A_676, %get3A_677] {strides = array<i32>} : memref<640x128xf32, #tpu.memory_space<vmem>>, vector<1x16xf32>,
      %get3A_679 = vector.shape_cast %get3A_678 : vector<1x16xf32> to vector<16xf32>
      %add3A_680 = arith.addf %add3A_636, %get3A_679 : vector<16xf32>
      %get3A_681 = arith.index_cast %add3A_675 : i32 to index
      %get3A_682 = arith.constant 16 : index
      %get3A_683 = tpu.vector_load %arg9[%get3A_681, %get3A_682] {strides = array<i32>} : memref<640x128xf32, #tpu.memory_space<vmem>>, vector<1x16xf32>,
      %get3A_684 = vector.shape_cast %get3A_683 : vector<1x16xf32> to vector<16xf32>
      %add3A_685 = arith.addf %add3A_641, %get3A_684 : vector<16xf32>
      %get3A_686 = arith.index_cast %add3A_675 : i32 to index
      %get3A_687 = arith.constant 32 : index
      %get3A_688 = tpu.vector_load %arg9[%get3A_686, %get3A_687] {strides = array<i32>} : memref<640x128xf32, #tpu.memory_space<vmem>>, vector<1x16xf32>,
      %get3A_689 = vector.shape_cast %get3A_688 : vector<1x16xf32> to vector<16xf32>
      %add3A_690 = arith.addf %add3A_646, %get3A_689 : vector<16xf32>
      %get3A_691 = arith.index_cast %add3A_675 : i32 to index
      %get3A_692 = arith.constant 48 : index
      %get3A_693 = tpu.vector_load %arg9[%get3A_691, %get3A_692] {strides = array<i32>} : memref<640x128xf32, #tpu.memory_space<vmem>>, vector<1x16xf32>,
      %get3A_694 = vector.shape_cast %get3A_693 : vector<1x16xf32> to vector<16xf32>
      %add3A_695 = arith.addf %add3A_651, %get3A_694 : vector<16xf32>
      %get3A_696 = arith.index_cast %add3A_675 : i32 to index
      %get3A_697 = arith.constant 64 : index
      %get3A_698 = tpu.vector_load %arg9[%get3A_696, %get3A_697] {strides = array<i32>} : memref<640x128xf32, #tpu.memory_space<vmem>>, vector<1x16xf32>,
      %get3A_699 = vector.shape_cast %get3A_698 : vector<1x16xf32> to vector<16xf32>
      %add3A_700 = arith.addf %add3A_656, %get3A_699 : vector<16xf32>
      %get3A_701 = arith.index_cast %add3A_675 : i32 to index
      %get3A_702 = arith.constant 80 : index
      %get3A_703 = tpu.vector_load %arg9[%get3A_701, %get3A_702] {strides = array<i32>} : memref<640x128xf32, #tpu.memory_space<vmem>>, vector<1x16xf32>,
      %get3A_704 = vector.shape_cast %get3A_703 : vector<1x16xf32> to vector<16xf32>
      %add3A_705 = arith.addf %add3A_661, %get3A_704 : vector<16xf32>
      %get3A_706 = arith.index_cast %add3A_675 : i32 to index
      %get3A_707 = arith.constant 96 : index
      %get3A_708 = tpu.vector_load %arg9[%get3A_706, %get3A_707] {strides = array<i32>} : memref<640x128xf32, #tpu.memory_space<vmem>>, vector<1x16xf32>,
      %get3A_709 = vector.shape_cast %get3A_708 : vector<1x16xf32> to vector<16xf32>
      %add3A_710 = arith.addf %add3A_666, %get3A_709 : vector<16xf32>
      %get3A_711 = arith.index_cast %add3A_675 : i32 to index
      %get3A_712 = arith.constant 112 : index
      %get3A_713 = tpu.vector_load %arg9[%get3A_711, %get3A_712] {strides = array<i32>} : memref<640x128xf32, #tpu.memory_space<vmem>>, vector<1x16xf32>,
      %get3A_714 = vector.shape_cast %get3A_713 : vector<1x16xf32> to vector<16xf32>
      %add3A_715 = arith.addf %add3A_671, %get3A_714 : vector<16xf32>
      %mul3A_716 = arith.constant 20 : i32
      %mul3A_717 = arith.muli %scan3A_112, %mul3A_716 : i32
      %add3A_718 = arith.constant 13 : i32
      %add3A_719 = arith.addi %mul3A_717, %add3A_718 : i32
      %get3A_720 = arith.index_cast %add3A_719 : i32 to index
      %get3A_721 = arith.constant 0 : index
      %get3A_722 = tpu.vector_load %arg9[%get3A_720, %get3A_721] {strides = array<i32>} : memref<640x128xf32, #tpu.memory_space<vmem>>, vector<1x16xf32>,
      %get3A_723 = vector.shape_cast %get3A_722 : vector<1x16xf32> to vector<16xf32>
      %add3A_724 = arith.addf %add3A_680, %get3A_723 : vector<16xf32>
      %get3A_725 = arith.index_cast %add3A_719 : i32 to index
      %get3A_726 = arith.constant 16 : index
      %get3A_727 = tpu.vector_load %arg9[%get3A_725, %get3A_726] {strides = array<i32>} : memref<640x128xf32, #tpu.memory_space<vmem>>, vector<1x16xf32>,
      %get3A_728 = vector.shape_cast %get3A_727 : vector<1x16xf32> to vector<16xf32>
      %add3A_729 = arith.addf %add3A_685, %get3A_728 : vector<16xf32>
      %get3A_730 = arith.index_cast %add3A_719 : i32 to index
      %get3A_731 = arith.constant 32 : index
      %get3A_732 = tpu.vector_load %arg9[%get3A_730, %get3A_731] {strides = array<i32>} : memref<640x128xf32, #tpu.memory_space<vmem>>, vector<1x16xf32>,
      %get3A_733 = vector.shape_cast %get3A_732 : vector<1x16xf32> to vector<16xf32>
      %add3A_734 = arith.addf %add3A_690, %get3A_733 : vector<16xf32>
      %get3A_735 = arith.index_cast %add3A_719 : i32 to index
      %get3A_736 = arith.constant 48 : index
      %get3A_737 = tpu.vector_load %arg9[%get3A_735, %get3A_736] {strides = array<i32>} : memref<640x128xf32, #tpu.memory_space<vmem>>, vector<1x16xf32>,
      %get3A_738 = vector.shape_cast %get3A_737 : vector<1x16xf32> to vector<16xf32>
      %add3A_739 = arith.addf %add3A_695, %get3A_738 : vector<16xf32>
      %get3A_740 = arith.index_cast %add3A_719 : i32 to index
      %get3A_741 = arith.constant 64 : index
      %get3A_742 = tpu.vector_load %arg9[%get3A_740, %get3A_741] {strides = array<i32>} : memref<640x128xf32, #tpu.memory_space<vmem>>, vector<1x16xf32>,
      %get3A_743 = vector.shape_cast %get3A_742 : vector<1x16xf32> to vector<16xf32>
      %add3A_744 = arith.addf %add3A_700, %get3A_743 : vector<16xf32>
      %get3A_745 = arith.index_cast %add3A_719 : i32 to index
      %get3A_746 = arith.constant 80 : index
      %get3A_747 = tpu.vector_load %arg9[%get3A_745, %get3A_746] {strides = array<i32>} : memref<640x128xf32, #tpu.memory_space<vmem>>, vector<1x16xf32>,
      %get3A_748 = vector.shape_cast %get3A_747 : vector<1x16xf32> to vector<16xf32>
      %add3A_749 = arith.addf %add3A_705, %get3A_748 : vector<16xf32>
      %get3A_750 = arith.index_cast %add3A_719 : i32 to index
      %get3A_751 = arith.constant 96 : index
      %get3A_752 = tpu.vector_load %arg9[%get3A_750, %get3A_751] {strides = array<i32>} : memref<640x128xf32, #tpu.memory_space<vmem>>, vector<1x16xf32>,
      %get3A_753 = vector.shape_cast %get3A_752 : vector<1x16xf32> to vector<16xf32>
      %add3A_754 = arith.addf %add3A_710, %get3A_753 : vector<16xf32>
      %get3A_755 = arith.index_cast %add3A_719 : i32 to index
      %get3A_756 = arith.constant 112 : index
      %get3A_757 = tpu.vector_load %arg9[%get3A_755, %get3A_756] {strides = array<i32>} : memref<640x128xf32, #tpu.memory_space<vmem>>, vector<1x16xf32>,
      %get3A_758 = vector.shape_cast %get3A_757 : vector<1x16xf32> to vector<16xf32>
      %add3A_759 = arith.addf %add3A_715, %get3A_758 : vector<16xf32>
      %mul3A_760 = arith.constant 20 : i32
      %mul3A_761 = arith.muli %scan3A_112, %mul3A_760 : i32
      %add3A_762 = arith.constant 14 : i32
      %add3A_763 = arith.addi %mul3A_761, %add3A_762 : i32
      %get3A_764 = arith.index_cast %add3A_763 : i32 to index
      %get3A_765 = arith.constant 0 : index
      %get3A_766 = tpu.vector_load %arg9[%get3A_764, %get3A_765] {strides = array<i32>} : memref<640x128xf32, #tpu.memory_space<vmem>>, vector<1x16xf32>,
      %get3A_767 = vector.shape_cast %get3A_766 : vector<1x16xf32> to vector<16xf32>
      %add3A_768 = arith.addf %add3A_724, %get3A_767 : vector<16xf32>
      %get3A_769 = arith.index_cast %add3A_763 : i32 to index
      %get3A_770 = arith.constant 16 : index
      %get3A_771 = tpu.vector_load %arg9[%get3A_769, %get3A_770] {strides = array<i32>} : memref<640x128xf32, #tpu.memory_space<vmem>>, vector<1x16xf32>,
      %get3A_772 = vector.shape_cast %get3A_771 : vector<1x16xf32> to vector<16xf32>
      %add3A_773 = arith.addf %add3A_729, %get3A_772 : vector<16xf32>
      %get3A_774 = arith.index_cast %add3A_763 : i32 to index
      %get3A_775 = arith.constant 32 : index
      %get3A_776 = tpu.vector_load %arg9[%get3A_774, %get3A_775] {strides = array<i32>} : memref<640x128xf32, #tpu.memory_space<vmem>>, vector<1x16xf32>,
      %get3A_777 = vector.shape_cast %get3A_776 : vector<1x16xf32> to vector<16xf32>
      %add3A_778 = arith.addf %add3A_734, %get3A_777 : vector<16xf32>
      %get3A_779 = arith.index_cast %add3A_763 : i32 to index
      %get3A_780 = arith.constant 48 : index
      %get3A_781 = tpu.vector_load %arg9[%get3A_779, %get3A_780] {strides = array<i32>} : memref<640x128xf32, #tpu.memory_space<vmem>>, vector<1x16xf32>,
      %get3A_782 = vector.shape_cast %get3A_781 : vector<1x16xf32> to vector<16xf32>
      %add3A_783 = arith.addf %add3A_739, %get3A_782 : vector<16xf32>
      %get3A_784 = arith.index_cast %add3A_763 : i32 to index
      %get3A_785 = arith.constant 64 : index
      %get3A_786 = tpu.vector_load %arg9[%get3A_784, %get3A_785] {strides = array<i32>} : memref<640x128xf32, #tpu.memory_space<vmem>>, vector<1x16xf32>,
      %get3A_787 = vector.shape_cast %get3A_786 : vector<1x16xf32> to vector<16xf32>
      %add3A_788 = arith.addf %add3A_744, %get3A_787 : vector<16xf32>
      %get3A_789 = arith.index_cast %add3A_763 : i32 to index
      %get3A_790 = arith.constant 80 : index
      %get3A_791 = tpu.vector_load %arg9[%get3A_789, %get3A_790] {strides = array<i32>} : memref<640x128xf32, #tpu.memory_space<vmem>>, vector<1x16xf32>,
      %get3A_792 = vector.shape_cast %get3A_791 : vector<1x16xf32> to vector<16xf32>
      %add3A_793 = arith.addf %add3A_749, %get3A_792 : vector<16xf32>
      %get3A_794 = arith.index_cast %add3A_763 : i32 to index
      %get3A_795 = arith.constant 96 : index
      %get3A_796 = tpu.vector_load %arg9[%get3A_794, %get3A_795] {strides = array<i32>} : memref<640x128xf32, #tpu.memory_space<vmem>>, vector<1x16xf32>,
      %get3A_797 = vector.shape_cast %get3A_796 : vector<1x16xf32> to vector<16xf32>
      %add3A_798 = arith.addf %add3A_754, %get3A_797 : vector<16xf32>
      %get3A_799 = arith.index_cast %add3A_763 : i32 to index
      %get3A_800 = arith.constant 112 : index
      %get3A_801 = tpu.vector_load %arg9[%get3A_799, %get3A_800] {strides = array<i32>} : memref<640x128xf32, #tpu.memory_space<vmem>>, vector<1x16xf32>,
      %get3A_802 = vector.shape_cast %get3A_801 : vector<1x16xf32> to vector<16xf32>
      %add3A_803 = arith.addf %add3A_759, %get3A_802 : vector<16xf32>
      %mul3A_804 = arith.constant 20 : i32
      %mul3A_805 = arith.muli %scan3A_112, %mul3A_804 : i32
      %add3A_806 = arith.constant 15 : i32
      %add3A_807 = arith.addi %mul3A_805, %add3A_806 : i32
      %get3A_808 = arith.index_cast %add3A_807 : i32 to index
      %get3A_809 = arith.constant 0 : index
      %get3A_810 = tpu.vector_load %arg9[%get3A_808, %get3A_809] {strides = array<i32>} : memref<640x128xf32, #tpu.memory_space<vmem>>, vector<1x16xf32>,
      %get3A_811 = vector.shape_cast %get3A_810 : vector<1x16xf32> to vector<16xf32>
      %add3A_812 = arith.addf %add3A_768, %get3A_811 : vector<16xf32>
      %get3A_813 = arith.index_cast %add3A_807 : i32 to index
      %get3A_814 = arith.constant 16 : index
      %get3A_815 = tpu.vector_load %arg9[%get3A_813, %get3A_814] {strides = array<i32>} : memref<640x128xf32, #tpu.memory_space<vmem>>, vector<1x16xf32>,
      %get3A_816 = vector.shape_cast %get3A_815 : vector<1x16xf32> to vector<16xf32>
      %add3A_817 = arith.addf %add3A_773, %get3A_816 : vector<16xf32>
      %get3A_818 = arith.index_cast %add3A_807 : i32 to index
      %get3A_819 = arith.constant 32 : index
      %get3A_820 = tpu.vector_load %arg9[%get3A_818, %get3A_819] {strides = array<i32>} : memref<640x128xf32, #tpu.memory_space<vmem>>, vector<1x16xf32>,
      %get3A_821 = vector.shape_cast %get3A_820 : vector<1x16xf32> to vector<16xf32>
      %add3A_822 = arith.addf %add3A_778, %get3A_821 : vector<16xf32>
      %get3A_823 = arith.index_cast %add3A_807 : i32 to index
      %get3A_824 = arith.constant 48 : index
      %get3A_825 = tpu.vector_load %arg9[%get3A_823, %get3A_824] {strides = array<i32>} : memref<640x128xf32, #tpu.memory_space<vmem>>, vector<1x16xf32>,
      %get3A_826 = vector.shape_cast %get3A_825 : vector<1x16xf32> to vector<16xf32>
      %add3A_827 = arith.addf %add3A_783, %get3A_826 : vector<16xf32>
      %get3A_828 = arith.index_cast %add3A_807 : i32 to index
      %get3A_829 = arith.constant 64 : index
      %get3A_830 = tpu.vector_load %arg9[%get3A_828, %get3A_829] {strides = array<i32>} : memref<640x128xf32, #tpu.memory_space<vmem>>, vector<1x16xf32>,
      %get3A_831 = vector.shape_cast %get3A_830 : vector<1x16xf32> to vector<16xf32>
      %add3A_832 = arith.addf %add3A_788, %get3A_831 : vector<16xf32>
      %get3A_833 = arith.index_cast %add3A_807 : i32 to index
      %get3A_834 = arith.constant 80 : index
      %get3A_835 = tpu.vector_load %arg9[%get3A_833, %get3A_834] {strides = array<i32>} : memref<640x128xf32, #tpu.memory_space<vmem>>, vector<1x16xf32>,
      %get3A_836 = vector.shape_cast %get3A_835 : vector<1x16xf32> to vector<16xf32>
      %add3A_837 = arith.addf %add3A_793, %get3A_836 : vector<16xf32>
      %get3A_838 = arith.index_cast %add3A_807 : i32 to index
      %get3A_839 = arith.constant 96 : index
      %get3A_840 = tpu.vector_load %arg9[%get3A_838, %get3A_839] {strides = array<i32>} : memref<640x128xf32, #tpu.memory_space<vmem>>, vector<1x16xf32>,
      %get3A_841 = vector.shape_cast %get3A_840 : vector<1x16xf32> to vector<16xf32>
      %add3A_842 = arith.addf %add3A_798, %get3A_841 : vector<16xf32>
      %get3A_843 = arith.index_cast %add3A_807 : i32 to index
      %get3A_844 = arith.constant 112 : index
      %get3A_845 = tpu.vector_load %arg9[%get3A_843, %get3A_844] {strides = array<i32>} : memref<640x128xf32, #tpu.memory_space<vmem>>, vector<1x16xf32>,
      %get3A_846 = vector.shape_cast %get3A_845 : vector<1x16xf32> to vector<16xf32>
      %add3A_847 = arith.addf %add3A_803, %get3A_846 : vector<16xf32>
      %mul3A_848 = arith.constant 20 : i32
      %mul3A_849 = arith.muli %scan3A_112, %mul3A_848 : i32
      %add3A_850 = arith.constant 16 : i32
      %add3A_851 = arith.addi %mul3A_849, %add3A_850 : i32
      %get3A_852 = arith.index_cast %add3A_851 : i32 to index
      %get3A_853 = arith.constant 0 : index
      %get3A_854 = tpu.vector_load %arg9[%get3A_852, %get3A_853] {strides = array<i32>} : memref<640x128xf32, #tpu.memory_space<vmem>>, vector<1x16xf32>,
      %get3A_855 = vector.shape_cast %get3A_854 : vector<1x16xf32> to vector<16xf32>
      %add3A_856 = arith.addf %add3A_812, %get3A_855 : vector<16xf32>
      %get3A_857 = arith.index_cast %add3A_851 : i32 to index
      %get3A_858 = arith.constant 16 : index
      %get3A_859 = tpu.vector_load %arg9[%get3A_857, %get3A_858] {strides = array<i32>} : memref<640x128xf32, #tpu.memory_space<vmem>>, vector<1x16xf32>,
      %get3A_860 = vector.shape_cast %get3A_859 : vector<1x16xf32> to vector<16xf32>
      %add3A_861 = arith.addf %add3A_817, %get3A_860 : vector<16xf32>
      %get3A_862 = arith.index_cast %add3A_851 : i32 to index
      %get3A_863 = arith.constant 32 : index
      %get3A_864 = tpu.vector_load %arg9[%get3A_862, %get3A_863] {strides = array<i32>} : memref<640x128xf32, #tpu.memory_space<vmem>>, vector<1x16xf32>,
      %get3A_865 = vector.shape_cast %get3A_864 : vector<1x16xf32> to vector<16xf32>
      %add3A_866 = arith.addf %add3A_822, %get3A_865 : vector<16xf32>
      %get3A_867 = arith.index_cast %add3A_851 : i32 to index
      %get3A_868 = arith.constant 48 : index
      %get3A_869 = tpu.vector_load %arg9[%get3A_867, %get3A_868] {strides = array<i32>} : memref<640x128xf32, #tpu.memory_space<vmem>>, vector<1x16xf32>,
      %get3A_870 = vector.shape_cast %get3A_869 : vector<1x16xf32> to vector<16xf32>
      %add3A_871 = arith.addf %add3A_827, %get3A_870 : vector<16xf32>
      %get3A_872 = arith.index_cast %add3A_851 : i32 to index
      %get3A_873 = arith.constant 64 : index
      %get3A_874 = tpu.vector_load %arg9[%get3A_872, %get3A_873] {strides = array<i32>} : memref<640x128xf32, #tpu.memory_space<vmem>>, vector<1x16xf32>,
      %get3A_875 = vector.shape_cast %get3A_874 : vector<1x16xf32> to vector<16xf32>
      %add3A_876 = arith.addf %add3A_832, %get3A_875 : vector<16xf32>
      %get3A_877 = arith.index_cast %add3A_851 : i32 to index
      %get3A_878 = arith.constant 80 : index
      %get3A_879 = tpu.vector_load %arg9[%get3A_877, %get3A_878] {strides = array<i32>} : memref<640x128xf32, #tpu.memory_space<vmem>>, vector<1x16xf32>,
      %get3A_880 = vector.shape_cast %get3A_879 : vector<1x16xf32> to vector<16xf32>
      %add3A_881 = arith.addf %add3A_837, %get3A_880 : vector<16xf32>
      %get3A_882 = arith.index_cast %add3A_851 : i32 to index
      %get3A_883 = arith.constant 96 : index
      %get3A_884 = tpu.vector_load %arg9[%get3A_882, %get3A_883] {strides = array<i32>} : memref<640x128xf32, #tpu.memory_space<vmem>>, vector<1x16xf32>,
      %get3A_885 = vector.shape_cast %get3A_884 : vector<1x16xf32> to vector<16xf32>
      %add3A_886 = arith.addf %add3A_842, %get3A_885 : vector<16xf32>
      %get3A_887 = arith.index_cast %add3A_851 : i32 to index
      %get3A_888 = arith.constant 112 : index
      %get3A_889 = tpu.vector_load %arg9[%get3A_887, %get3A_888] {strides = array<i32>} : memref<640x128xf32, #tpu.memory_space<vmem>>, vector<1x16xf32>,
      %get3A_890 = vector.shape_cast %get3A_889 : vector<1x16xf32> to vector<16xf32>
      %add3A_891 = arith.addf %add3A_847, %get3A_890 : vector<16xf32>
      %mul3A_892 = arith.constant 20 : i32
      %mul3A_893 = arith.muli %scan3A_112, %mul3A_892 : i32
      %add3A_894 = arith.constant 17 : i32
      %add3A_895 = arith.addi %mul3A_893, %add3A_894 : i32
      %get3A_896 = arith.index_cast %add3A_895 : i32 to index
      %get3A_897 = arith.constant 0 : index
      %get3A_898 = tpu.vector_load %arg9[%get3A_896, %get3A_897] {strides = array<i32>} : memref<640x128xf32, #tpu.memory_space<vmem>>, vector<1x16xf32>,
      %get3A_899 = vector.shape_cast %get3A_898 : vector<1x16xf32> to vector<16xf32>
      %add3A_900 = arith.addf %add3A_856, %get3A_899 : vector<16xf32>
      %get3A_901 = arith.index_cast %add3A_895 : i32 to index
      %get3A_902 = arith.constant 16 : index
      %get3A_903 = tpu.vector_load %arg9[%get3A_901, %get3A_902] {strides = array<i32>} : memref<640x128xf32, #tpu.memory_space<vmem>>, vector<1x16xf32>,
      %get3A_904 = vector.shape_cast %get3A_903 : vector<1x16xf32> to vector<16xf32>
      %add3A_905 = arith.addf %add3A_861, %get3A_904 : vector<16xf32>
      %get3A_906 = arith.index_cast %add3A_895 : i32 to index
      %get3A_907 = arith.constant 32 : index
      %get3A_908 = tpu.vector_load %arg9[%get3A_906, %get3A_907] {strides = array<i32>} : memref<640x128xf32, #tpu.memory_space<vmem>>, vector<1x16xf32>,
      %get3A_909 = vector.shape_cast %get3A_908 : vector<1x16xf32> to vector<16xf32>
      %add3A_910 = arith.addf %add3A_866, %get3A_909 : vector<16xf32>
      %get3A_911 = arith.index_cast %add3A_895 : i32 to index
      %get3A_912 = arith.constant 48 : index
      %get3A_913 = tpu.vector_load %arg9[%get3A_911, %get3A_912] {strides = array<i32>} : memref<640x128xf32, #tpu.memory_space<vmem>>, vector<1x16xf32>,
      %get3A_914 = vector.shape_cast %get3A_913 : vector<1x16xf32> to vector<16xf32>
      %add3A_915 = arith.addf %add3A_871, %get3A_914 : vector<16xf32>
      %get3A_916 = arith.index_cast %add3A_895 : i32 to index
      %get3A_917 = arith.constant 64 : index
      %get3A_918 = tpu.vector_load %arg9[%get3A_916, %get3A_917] {strides = array<i32>} : memref<640x128xf32, #tpu.memory_space<vmem>>, vector<1x16xf32>,
      %get3A_919 = vector.shape_cast %get3A_918 : vector<1x16xf32> to vector<16xf32>
      %add3A_920 = arith.addf %add3A_876, %get3A_919 : vector<16xf32>
      %get3A_921 = arith.index_cast %add3A_895 : i32 to index
      %get3A_922 = arith.constant 80 : index
      %get3A_923 = tpu.vector_load %arg9[%get3A_921, %get3A_922] {strides = array<i32>} : memref<640x128xf32, #tpu.memory_space<vmem>>, vector<1x16xf32>,
      %get3A_924 = vector.shape_cast %get3A_923 : vector<1x16xf32> to vector<16xf32>
      %add3A_925 = arith.addf %add3A_881, %get3A_924 : vector<16xf32>
      %get3A_926 = arith.index_cast %add3A_895 : i32 to index
      %get3A_927 = arith.constant 96 : index
      %get3A_928 = tpu.vector_load %arg9[%get3A_926, %get3A_927] {strides = array<i32>} : memref<640x128xf32, #tpu.memory_space<vmem>>, vector<1x16xf32>,
      %get3A_929 = vector.shape_cast %get3A_928 : vector<1x16xf32> to vector<16xf32>
      %add3A_930 = arith.addf %add3A_886, %get3A_929 : vector<16xf32>
      %get3A_931 = arith.index_cast %add3A_895 : i32 to index
      %get3A_932 = arith.constant 112 : index
      %get3A_933 = tpu.vector_load %arg9[%get3A_931, %get3A_932] {strides = array<i32>} : memref<640x128xf32, #tpu.memory_space<vmem>>, vector<1x16xf32>,
      %get3A_934 = vector.shape_cast %get3A_933 : vector<1x16xf32> to vector<16xf32>
      %add3A_935 = arith.addf %add3A_891, %get3A_934 : vector<16xf32>
      %mul3A_936 = arith.constant 20 : i32
      %mul3A_937 = arith.muli %scan3A_112, %mul3A_936 : i32
      %add3A_938 = arith.constant 18 : i32
      %add3A_939 = arith.addi %mul3A_937, %add3A_938 : i32
      %get3A_940 = arith.index_cast %add3A_939 : i32 to index
      %get3A_941 = arith.constant 0 : index
      %get3A_942 = tpu.vector_load %arg9[%get3A_940, %get3A_941] {strides = array<i32>} : memref<640x128xf32, #tpu.memory_space<vmem>>, vector<1x16xf32>,
      %get3A_943 = vector.shape_cast %get3A_942 : vector<1x16xf32> to vector<16xf32>
      %add3A_944 = arith.addf %add3A_900, %get3A_943 : vector<16xf32>
      %get3A_945 = arith.index_cast %add3A_939 : i32 to index
      %get3A_946 = arith.constant 16 : index
      %get3A_947 = tpu.vector_load %arg9[%get3A_945, %get3A_946] {strides = array<i32>} : memref<640x128xf32, #tpu.memory_space<vmem>>, vector<1x16xf32>,
      %get3A_948 = vector.shape_cast %get3A_947 : vector<1x16xf32> to vector<16xf32>
      %add3A_949 = arith.addf %add3A_905, %get3A_948 : vector<16xf32>
      %get3A_950 = arith.index_cast %add3A_939 : i32 to index
      %get3A_951 = arith.constant 32 : index
      %get3A_952 = tpu.vector_load %arg9[%get3A_950, %get3A_951] {strides = array<i32>} : memref<640x128xf32, #tpu.memory_space<vmem>>, vector<1x16xf32>,
      %get3A_953 = vector.shape_cast %get3A_952 : vector<1x16xf32> to vector<16xf32>
      %add3A_954 = arith.addf %add3A_910, %get3A_953 : vector<16xf32>
      %get3A_955 = arith.index_cast %add3A_939 : i32 to index
      %get3A_956 = arith.constant 48 : index
      %get3A_957 = tpu.vector_load %arg9[%get3A_955, %get3A_956] {strides = array<i32>} : memref<640x128xf32, #tpu.memory_space<vmem>>, vector<1x16xf32>,
      %get3A_958 = vector.shape_cast %get3A_957 : vector<1x16xf32> to vector<16xf32>
      %add3A_959 = arith.addf %add3A_915, %get3A_958 : vector<16xf32>
      %get3A_960 = arith.index_cast %add3A_939 : i32 to index
      %get3A_961 = arith.constant 64 : index
      %get3A_962 = tpu.vector_load %arg9[%get3A_960, %get3A_961] {strides = array<i32>} : memref<640x128xf32, #tpu.memory_space<vmem>>, vector<1x16xf32>,
      %get3A_963 = vector.shape_cast %get3A_962 : vector<1x16xf32> to vector<16xf32>
      %add3A_964 = arith.addf %add3A_920, %get3A_963 : vector<16xf32>
      %get3A_965 = arith.index_cast %add3A_939 : i32 to index
      %get3A_966 = arith.constant 80 : index
      %get3A_967 = tpu.vector_load %arg9[%get3A_965, %get3A_966] {strides = array<i32>} : memref<640x128xf32, #tpu.memory_space<vmem>>, vector<1x16xf32>,
      %get3A_968 = vector.shape_cast %get3A_967 : vector<1x16xf32> to vector<16xf32>
      %add3A_969 = arith.addf %add3A_925, %get3A_968 : vector<16xf32>
      %get3A_970 = arith.index_cast %add3A_939 : i32 to index
      %get3A_971 = arith.constant 96 : index
      %get3A_972 = tpu.vector_load %arg9[%get3A_970, %get3A_971] {strides = array<i32>} : memref<640x128xf32, #tpu.memory_space<vmem>>, vector<1x16xf32>,
      %get3A_973 = vector.shape_cast %get3A_972 : vector<1x16xf32> to vector<16xf32>
      %add3A_974 = arith.addf %add3A_930, %get3A_973 : vector<16xf32>
      %get3A_975 = arith.index_cast %add3A_939 : i32 to index
      %get3A_976 = arith.constant 112 : index
      %get3A_977 = tpu.vector_load %arg9[%get3A_975, %get3A_976] {strides = array<i32>} : memref<640x128xf32, #tpu.memory_space<vmem>>, vector<1x16xf32>,
      %get3A_978 = vector.shape_cast %get3A_977 : vector<1x16xf32> to vector<16xf32>
      %add3A_979 = arith.addf %add3A_935, %get3A_978 : vector<16xf32>
      %mul3A_980 = arith.constant 20 : i32
      %mul3A_981 = arith.muli %scan3A_112, %mul3A_980 : i32
      %add3A_982 = arith.constant 19 : i32
      %add3A_983 = arith.addi %mul3A_981, %add3A_982 : i32
      %get3A_984 = arith.index_cast %add3A_983 : i32 to index
      %get3A_985 = arith.constant 0 : index
      %get3A_986 = tpu.vector_load %arg9[%get3A_984, %get3A_985] {strides = array<i32>} : memref<640x128xf32, #tpu.memory_space<vmem>>, vector<1x16xf32>,
      %get3A_987 = vector.shape_cast %get3A_986 : vector<1x16xf32> to vector<16xf32>
      %add3A_988 = arith.addf %add3A_944, %get3A_987 : vector<16xf32>
      %get3A_989 = arith.index_cast %add3A_983 : i32 to index
      %get3A_990 = arith.constant 16 : index
      %get3A_991 = tpu.vector_load %arg9[%get3A_989, %get3A_990] {strides = array<i32>} : memref<640x128xf32, #tpu.memory_space<vmem>>, vector<1x16xf32>,
      %get3A_992 = vector.shape_cast %get3A_991 : vector<1x16xf32> to vector<16xf32>
      %add3A_993 = arith.addf %add3A_949, %get3A_992 : vector<16xf32>
      %get3A_994 = arith.index_cast %add3A_983 : i32 to index
      %get3A_995 = arith.constant 32 : index
      %get3A_996 = tpu.vector_load %arg9[%get3A_994, %get3A_995] {strides = array<i32>} : memref<640x128xf32, #tpu.memory_space<vmem>>, vector<1x16xf32>,
      %get3A_997 = vector.shape_cast %get3A_996 : vector<1x16xf32> to vector<16xf32>
      %add3A_998 = arith.addf %add3A_954, %get3A_997 : vector<16xf32>
      %get3A_999 = arith.index_cast %add3A_983 : i32 to index
      %get3A_1000 = arith.constant 48 : index
      %get3A_1001 = tpu.vector_load %arg9[%get3A_999, %get3A_1000] {strides = array<i32>} : memref<640x128xf32, #tpu.memory_space<vmem>>, vector<1x16xf32>,
      %get3A_1002 = vector.shape_cast %get3A_1001 : vector<1x16xf32> to vector<16xf32>
      %add3A_1003 = arith.addf %add3A_959, %get3A_1002 : vector<16xf32>
      %get3A_1004 = arith.index_cast %add3A_983 : i32 to index
      %get3A_1005 = arith.constant 64 : index
      %get3A_1006 = tpu.vector_load %arg9[%get3A_1004, %get3A_1005] {strides = array<i32>} : memref<640x128xf32, #tpu.memory_space<vmem>>, vector<1x16xf32>,
      %get3A_1007 = vector.shape_cast %get3A_1006 : vector<1x16xf32> to vector<16xf32>
      %add3A_1008 = arith.addf %add3A_964, %get3A_1007 : vector<16xf32>
      %get3A_1009 = arith.index_cast %add3A_983 : i32 to index
      %get3A_1010 = arith.constant 80 : index
      %get3A_1011 = tpu.vector_load %arg9[%get3A_1009, %get3A_1010] {strides = array<i32>} : memref<640x128xf32, #tpu.memory_space<vmem>>, vector<1x16xf32>,
      %get3A_1012 = vector.shape_cast %get3A_1011 : vector<1x16xf32> to vector<16xf32>
      %add3A_1013 = arith.addf %add3A_969, %get3A_1012 : vector<16xf32>
      %get3A_1014 = arith.index_cast %add3A_983 : i32 to index
      %get3A_1015 = arith.constant 96 : index
      %get3A_1016 = tpu.vector_load %arg9[%get3A_1014, %get3A_1015] {strides = array<i32>} : memref<640x128xf32, #tpu.memory_space<vmem>>, vector<1x16xf32>,
      %get3A_1017 = vector.shape_cast %get3A_1016 : vector<1x16xf32> to vector<16xf32>
      %add3A_1018 = arith.addf %add3A_974, %get3A_1017 : vector<16xf32>
      %get3A_1019 = arith.index_cast %add3A_983 : i32 to index
      %get3A_1020 = arith.constant 112 : index
      %get3A_1021 = tpu.vector_load %arg9[%get3A_1019, %get3A_1020] {strides = array<i32>} : memref<640x128xf32, #tpu.memory_space<vmem>>, vector<1x16xf32>,
      %get3A_1022 = vector.shape_cast %get3A_1021 : vector<1x16xf32> to vector<16xf32>
      %add3A_1023 = arith.addf %add3A_979, %get3A_1022 : vector<16xf32>
      %swap3A = arith.index_cast %scan3A_112 : i32 to index
      %swap3A_1024 = arith.constant 0 : index
      %swap3A_1025 = tpu.vector_load %arg11[%swap3A, %swap3A_1024] {strides = array<i32>} : memref<32x128xf32, #tpu.memory_space<vmem>>, vector<1x16xf32>,
      %swap3A_1026 = vector.shape_cast %swap3A_1025 : vector<1x16xf32> to vector<16xf32>
      %swap3A_1027 = vector.shape_cast %add3A_988 : vector<16xf32> to vector<1x16xf32>
      tpu.vector_store %arg11[%swap3A, %swap3A_1024], %swap3A_1027 {strides = array<i32>} : memref<32x128xf32, #tpu.memory_space<vmem>>, vector<1x16xf32>,
      %swap3A_1028 = arith.index_cast %scan3A_112 : i32 to index
      %swap3A_1029 = arith.constant 16 : index
      %swap3A_1030 = tpu.vector_load %arg11[%swap3A_1028, %swap3A_1029] {strides = array<i32>} : memref<32x128xf32, #tpu.memory_space<vmem>>, vector<1x16xf32>,
      %swap3A_1031 = vector.shape_cast %swap3A_1030 : vector<1x16xf32> to vector<16xf32>
      %swap3A_1032 = vector.shape_cast %add3A_993 : vector<16xf32> to vector<1x16xf32>
      tpu.vector_store %arg11[%swap3A_1028, %swap3A_1029], %swap3A_1032 {strides = array<i32>} : memref<32x128xf32, #tpu.memory_space<vmem>>, vector<1x16xf32>,
      %swap3A_1033 = arith.index_cast %scan3A_112 : i32 to index
      %swap3A_1034 = arith.constant 32 : index
      %swap3A_1035 = tpu.vector_load %arg11[%swap3A_1033, %swap3A_1034] {strides = array<i32>} : memref<32x128xf32, #tpu.memory_space<vmem>>, vector<1x16xf32>,
      %swap3A_1036 = vector.shape_cast %swap3A_1035 : vector<1x16xf32> to vector<16xf32>
      %swap3A_1037 = vector.shape_cast %add3A_998 : vector<16xf32> to vector<1x16xf32>
      tpu.vector_store %arg11[%swap3A_1033, %swap3A_1034], %swap3A_1037 {strides = array<i32>} : memref<32x128xf32, #tpu.memory_space<vmem>>, vector<1x16xf32>,
      %swap3A_1038 = arith.index_cast %scan3A_112 : i32 to index
      %swap3A_1039 = arith.constant 48 : index
      %swap3A_1040 = tpu.vector_load %arg11[%swap3A_1038, %swap3A_1039] {strides = array<i32>} : memref<32x128xf32, #tpu.memory_space<vmem>>, vector<1x16xf32>,
      %swap3A_1041 = vector.shape_cast %swap3A_1040 : vector<1x16xf32> to vector<16xf32>
      %swap3A_1042 = vector.shape_cast %add3A_1003 : vector<16xf32> to vector<1x16xf32>
      tpu.vector_store %arg11[%swap3A_1038, %swap3A_1039], %swap3A_1042 {strides = array<i32>} : memref<32x128xf32, #tpu.memory_space<vmem>>, vector<1x16xf32>,
      %swap3A_1043 = arith.index_cast %scan3A_112 : i32 to index
      %swap3A_1044 = arith.constant 64 : index
      %swap3A_1045 = tpu.vector_load %arg11[%swap3A_1043, %swap3A_1044] {strides = array<i32>} : memref<32x128xf32, #tpu.memory_space<vmem>>, vector<1x16xf32>,
      %swap3A_1046 = vector.shape_cast %swap3A_1045 : vector<1x16xf32> to vector<16xf32>
      %swap3A_1047 = vector.shape_cast %add3A_1008 : vector<16xf32> to vector<1x16xf32>
      tpu.vector_store %arg11[%swap3A_1043, %swap3A_1044], %swap3A_1047 {strides = array<i32>} : memref<32x128xf32, #tpu.memory_space<vmem>>, vector<1x16xf32>,
      %swap3A_1048 = arith.index_cast %scan3A_112 : i32 to index
      %swap3A_1049 = arith.constant 80 : index
      %swap3A_1050 = tpu.vector_load %arg11[%swap3A_1048, %swap3A_1049] {strides = array<i32>} : memref<32x128xf32, #tpu.memory_space<vmem>>, vector<1x16xf32>,
      %swap3A_1051 = vector.shape_cast %swap3A_1050 : vector<1x16xf32> to vector<16xf32>
      %swap3A_1052 = vector.shape_cast %add3A_1013 : vector<16xf32> to vector<1x16xf32>
      tpu.vector_store %arg11[%swap3A_1048, %swap3A_1049], %swap3A_1052 {strides = array<i32>} : memref<32x128xf32, #tpu.memory_space<vmem>>, vector<1x16xf32>,
      %swap3A_1053 = arith.index_cast %scan3A_112 : i32 to index
      %swap3A_1054 = arith.constant 96 : index
      %swap3A_1055 = tpu.vector_load %arg11[%swap3A_1053, %swap3A_1054] {strides = array<i32>} : memref<32x128xf32, #tpu.memory_space<vmem>>, vector<1x16xf32>,
      %swap3A_1056 = vector.shape_cast %swap3A_1055 : vector<1x16xf32> to vector<16xf32>
      %swap3A_1057 = vector.shape_cast %add3A_1018 : vector<16xf32> to vector<1x16xf32>
      tpu.vector_store %arg11[%swap3A_1053, %swap3A_1054], %swap3A_1057 {strides = array<i32>} : memref<32x128xf32, #tpu.memory_space<vmem>>, vector<1x16xf32>,
      %swap3A_1058 = arith.index_cast %scan3A_112 : i32 to index
      %swap3A_1059 = arith.constant 112 : index
      %swap3A_1060 = tpu.vector_load %arg11[%swap3A_1058, %swap3A_1059] {strides = array<i32>} : memref<32x128xf32, #tpu.memory_space<vmem>>, vector<1x16xf32>,
      %swap3A_1061 = vector.shape_cast %swap3A_1060 : vector<1x16xf32> to vector<16xf32>
      %swap3A_1062 = vector.shape_cast %add3A_1023 : vector<16xf32> to vector<1x16xf32>
      tpu.vector_store %arg11[%swap3A_1058, %swap3A_1059], %swap3A_1062 {strides = array<i32>} : memref<32x128xf32, #tpu.memory_space<vmem>>, vector<1x16xf32>,
    }
    %scan3A_111 = arith.constant 32 : i32
    "tpu.region"() ({
      %run_scoped3A = tpu.sem_alloc : memref<!tpu.dma_semaphore, #tpu.memory_space<semaphore_mem>>
      %dma_start3A_112 = arith.constant 0 : i32
      %dma_start3A_113 = tpu.memref_slice %arg6[%mul3A_2, %dma_start3A_112] : memref<1024x128xf32, #tpu.memory_space<hbm>> -> memref<32x128xf32, #tpu.memory_space<hbm>>
      %dma_start3A_114 = arith.constant 0 : i32
      %dma_start3A_115 = tpu.memref_slice %arg6[%mul3A_2, %dma_start3A_114] : memref<1024x128xf32, #tpu.memory_space<hbm>> -> memref<32x128xf32, #tpu.memory_space<hbm>>
      tpu.enqueue_dma source(%arg11 : memref<32x128xf32, #tpu.memory_space<vmem>>) target(%dma_start3A_115 : memref<32x128xf32, #tpu.memory_space<hbm>>) target_semaphore(%run_scoped3A : memref<!tpu.dma_semaphore, #tpu.memory_space<semaphore_mem>>)
      %dma_wait3A_116 = arith.constant 0 : i32
      %dma_wait3A_117 = tpu.memref_slice %arg6[%mul3A_2, %dma_wait3A_116] : memref<1024x128xf32, #tpu.memory_space<hbm>> -> memref<32x128xf32, #tpu.memory_space<hbm>>
      %dma_wait3A_118 = arith.constant 0 : i32
      %dma_wait3A_119 = tpu.memref_slice %arg6[%mul3A_2, %dma_wait3A_118] : memref<1024x128xf32, #tpu.memory_space<hbm>> -> memref<32x128xf32, #tpu.memory_space<hbm>>
      tpu.wait_dma2 semaphore(%run_scoped3A : memref<!tpu.dma_semaphore, #tpu.memory_space<semaphore_mem>>) src(%arg11 : memref<32x128xf32, #tpu.memory_space<vmem>>) dst(%dma_wait3A_119 : memref<32x128xf32, #tpu.memory_space<hbm>>)
      tpu.yield
    }) : () -> ()
    return
  }
}

module attributes {stable_mosaic.version = 14 : i64} {
  func.func @mm(%arg0: i32, %arg1: memref<1024x128xf32, #tpu.memory_space<vmem>>, %arg2: memref<2048x128xf32, #tpu.memory_space<vmem>>, %arg3: memref<1x2048xf32, #tpu.memory_space<vmem>>, %arg4: memref<1024x2048xf32, #tpu.memory_space<vmem>>) attributes {dimension_semantics = [#tpu.dimension_semantics<arbitrary>], iteration_bounds = array<i64: 49>, scalar_prefetch = 0 : i64, scratch_operands = 0 : i64, tpu.core_type = #tpu.core_type<tc>, window_params = [{pipeline_mode = #tpu.pipeline_mode<synchronous>, transform_indices = @transform_0, window_bounds = array<i64: 1024, 128>}, {transform_indices = @transform_1, window_bounds = array<i64: 2048, 128>}, {transform_indices = @transform_2, window_bounds = array<i64: 1, 2048>}, {transform_indices = @transform_3, window_bounds = array<i64: 1024, 2048>}]} {
    %get3A = arith.constant 0 : index
    %get3A_0 = arith.constant 0 : index
    %get3A_1 = vector.load %arg1[%get3A, %get3A_0] : memref<1024x128xf32, #tpu.memory_space<vmem>>, vector<1024x128xf32>
    %get3A_2 = arith.constant 0 : index
    %get3A_3 = arith.constant 0 : index
    %get3A_4 = vector.load %arg2[%get3A_2, %get3A_3] : memref<2048x128xf32, #tpu.memory_space<vmem>>, vector<2048x128xf32>
    %dot_general3A = arith.constant dense<0.000000e+00> : vector<1024x2048xf32>
    %dot_general3A_5 = tpu.matmul %get3A_1, %get3A_4, %dot_general3A {dimension_numbers = #tpu.dot_dimension_numbers<[1], [1], [0], [0], [0, 0, 1, 0], [], []>, transpose_lhs_hint = false} : vector<1024x128xf32>, vector<2048x128xf32>, vector<1024x2048xf32> -> vector<1024x2048xf32>
    %get3A_6 = arith.constant 0 : index
    %get3A_7 = arith.constant 0 : index
    %get3A_8 = vector.load %arg3[%get3A_6, %get3A_7] : memref<1x2048xf32, #tpu.memory_space<vmem>>, vector<1x2048xf32>
    %add3A = vector.broadcast %get3A_8 : vector<1x2048xf32> to vector<1024x2048xf32>
    %add3A_9 = arith.addf %dot_general3A_5, %add3A : vector<1024x2048xf32>
    %swap3A = arith.constant 0 : index
    %swap3A_10 = arith.constant 0 : index
    %swap3A_11 = vector.load %arg4[%swap3A, %swap3A_10] : memref<1024x2048xf32, #tpu.memory_space<vmem>>, vector<1024x2048xf32>
    tpu.vector_store %arg4[%swap3A, %swap3A_10], %add3A_9 {strides = array<i32>} : memref<1024x2048xf32, #tpu.memory_space<vmem>>, vector<1024x2048xf32>,
    return
  }
  func.func @transform_0(%arg0: i32) -> (i32, i32) {
    %c0_i32 = arith.constant 0 : i32
    %c0_i32_0 = arith.constant 0 : i32
    %c0_i32_1 = arith.constant 0 : i32
    return %c0_i32, %c0_i32_0 : i32, i32
  }
  func.func @transform_1(%arg0: i32) -> (i32, i32) {
    %c0_i32 = arith.constant 0 : i32
    %c0_i32_0 = arith.constant 0 : i32
    return %arg0, %c0_i32 : i32, i32
  }
  func.func @transform_2(%arg0: i32) -> (i32, i32) {
    %c0_i32 = arith.constant 0 : i32
    %c0_i32_0 = arith.constant 0 : i32
    return %c0_i32, %arg0 : i32, i32
  }
  func.func @transform_3(%arg0: i32) -> (i32, i32) {
    %c0_i32 = arith.constant 0 : i32
    %c0_i32_0 = arith.constant 0 : i32
    return %c0_i32, %arg0 : i32, i32
  }
}

</mosaic_0001>

<sc_bundles>
// kernel: kernel.4.cloned.1.call-start
scs
__scs_entry_jumppad:
0x0: {  	(pc) =	sbr.rel $0x88, $3  }
0x1: {  	(tag) =	ssettag $0x0;
	lr =	simm.s32 $0x1  }
0x2: {  	[smem:$0x3F9B] =	sst lr;
	_ =	strace $0xD0000000  }
0x3: {  	_ = 	snop  }
0x4: {  	_ = 	snop  }
0x5: {  	_ = 	snop  }
0x6: {  	_ = 	snop  }
0x7: {  	_ = 	snop  }
__scs_overlays_trampoline_lowered:
0x8: {  	[smem:$0x3FAA] =	sst s0  }
0x9: {  	[smem:$0x3FAB] =	sst s1  }
0xa: {  	[smem:$0x3FAC] =	sst s2  }
0xb: {  	[smem:$0x3FAD] =	sst s3  }
0xc: {  	[smem:$0x3FAE] =	sst s4  }
0xd: {  	[smem:$0x3FAF] =	sst s5  }
0xe: {  	[smem:$0x3FB0] =	sst s6  }
0xf: {  	[smem:$0x3FB1] =	sst s7  }
0x10: {  	[smem:$0x3FB2] =	sst s8  }
0x11: {  	[smem:$0x3FB3] =	sst s9;
	s0 =	simm.s32 @!p0 $0x0  }
0x12: {  	s1 =	sld [smem:$0x3F99];
	s0 =	simm.s32 @p0 $0x1  }
0x13: {  	[smem:$0x3FB4] =	sst s0;
	s0 =	simm.s32 @!p1 $0x0  }
0x14: {  	s2 =	sld [smem:$0x3F98];
	s0 =	simm.s32 @p1 $0x1  }
0x15: {  	[smem:$0x3FB5] =	sst s0;
	s0 =	simm.s32 @!p2 $0x0  }
0x16: {  	s3 =	sld [smem:$0x3FDB];
	s0 =	simm.s32 @p2 $0x1  }
0x17: {  	s4 =	simm.s32 $0x1BF5;
	[smem:$0x3FB7] =	sst s0  }
0x18: {  	s0 =	sld [smem:$0x3F9A];
	_ =	swait.ge [sflag:s4], $0x0  }
0x19: {  	s7 =	sld [smem:$0x3F9B]  }
0x1a: {  	s8 =	sadd.s32 $0xFFFFE003, lr  }
0x1b: {  	s9 =	sadd.s32 $0xFFFFFEF7, lr;
	s5 =	simm.s32 $0xFFFFFFFF;
	p2 =	slt.u32 s8, $0xFFFFF086  }
0x1c: {  	p1 =	slt.u32 s9, $0xF7A;
	s5 =	simm.s32 @!p2 $0x0  }
0x1d: {  	s5 =	simm.s32 @p1 $0x1;
	p0 =	seq.s32 s7, s2  }
0x1e: {  	s7 =	smul.u32 @!p0 $0xF7A, s2;
	p2 =	seq.s32 @!p0 s5, $0x0  }
0x1f: {  	s9 =	smul.u32 $0xF7A, s1;
	s8 =	simm.s32 @!p0 $0x1BF5;
	p2 =	por !p2, p0  }
0x20: {  	[sflag:s8] =	ssyncset.s32 @!p0 $0xFFFFF086;
	s6 =	sadd.s32 @!p0 s3, s7;
	s7 =	simm.s32 @!p0 $0x108  }
0x21: {  	s3 =	sadd.s32 s3, s9;
	s6 =	sadd.s32 @!p0 $0x88, s6;
	s7 =	simm.s32 @p2 $0x1082  }
0x22: {  	[simem:s7], [sflag:s8] =	dma.local @!p0 [hbm:s6], $0xF7A  }
0x23: {  	s9 =	sor.u32 $0xD0000000, s2;
	s6 =	simm.s32 $0x108;
	_ =	swait.ge @!p0 [sflag:s8], $0x0  }
0x24: {  	s3 =	sadd.s32 $0x88, s3;
	s6 =	simm.s32 @!p1 $0x1082;
	[sflag:s4] =	ssyncset.s32 $0xFFFFF086  }
0x25: {  	[simem:s6], [sflag:s4] =	dma.local [hbm:s3], $0xF7A  }
0x26: {  	[smem:$0x3F9B] =	sst s1;
	(tag) =	ssettag s2;
	_ =	strace s9  }
0x27: {  	s1 =	sld [smem:$0x3FAB]  }
0x28: {  	s2 =	sld [smem:$0x3FAC]  }
0x29: {  	s4 =	sld [smem:$0x3FAE]  }
0x2a: {  	p0 =	seq.s32 s5, $0x0;
	s5 =	sld [smem:$0x3FAF]  }
0x2b: {  	s6 =	sld [smem:$0x3FB0]  }
0x2c: {  	s7 =	sld [smem:$0x3FB1]  }
0x2d: {  	s3 =	simm.s32 $0x108;
	s8 =	sld [smem:$0x3FB2]  }
0x2e: {  	s3 =	simm.s32 @!p0 $0x1082;
	s9 =	sld [smem:$0x3FB3]  }
0x2f: {  	lr =	sadd.s32 s0, s3;
	s0 =	sld [smem:$0x3FAA]  }
0x30: {  	s3 =	sld [smem:$0x3FAD]  }
0x31: {  	[smem:$0x3FB6] =	sst s10  }
0x32: {  	s10 =	sld [smem:$0x3FB4];
	_ =	sdelay $0x3  }
0x33: {  	p0 =	seq.s32 s10, $0x1;
	s10 =	sld [smem:$0x3FB6];
	_ =	sdelay $0x3  }
0x34: {  	[smem:$0x3FB6] =	sst s10  }
0x35: {  	s10 =	sld [smem:$0x3FB5];
	_ =	sdelay $0x3  }
0x36: {  	p1 =	seq.s32 s10, $0x1;
	s10 =	sld [smem:$0x3FB6];
	_ =	sdelay $0x3  }
0x37: {  	[smem:$0x3FB6] =	sst s10  }
0x38: {  	s10 =	sld [smem:$0x3FB7]  }
0x39: {  	_ = 	snop;
	(pc) =	sbr.ind lr, $3  }
0x3a: {  	_ = 	snop  }
0x3b: {  	_ = 	snop  }
0x3c: {  	p2 =	seq.s32 s10, $0x1;
	s10 =	sld [smem:$0x3FB6]  }
0x3d: {  	_ =	shalt  }
0x3e: {  	_ =	shalt  }
0x3f: {  	_ =	shalt  }
0x40: {  	_ =	shalt  }
0x41: {  	_ =	shalt  }
0x42: {  	_ =	shalt  }
0x43: {  	_ =	shalt  }
0x44: {  	_ =	shalt  }
0x45: {  	_ =	shalt  }
0x46: {  	_ =	shalt  }
0x47: {  	_ =	shalt  }
0x48: {  	_ =	shalt  }
0x49: {  	_ =	shalt  }
0x4a: {  	_ =	shalt  }
0x4b: {  	_ =	shalt  }
0x4c: {  	_ =	shalt  }
0x4d: {  	_ =	shalt  }
0x4e: {  	_ =	shalt  }
0x4f: {  	_ =	shalt  }
0x50: {  	_ =	shalt  }
0x51: {  	_ =	shalt  }
0x52: {  	_ =	shalt  }
0x53: {  	_ =	shalt  }
0x54: {  	_ =	shalt  }
0x55: {  	_ =	shalt  }
0x56: {  	_ =	shalt  }
0x57: {  	_ =	shalt  }
0x58: {  	_ =	shalt  }
0x59: {  	_ =	shalt  }
0x5a: {  	_ =	shalt  }
0x5b: {  	_ =	shalt  }
0x5c: {  	_ =	shalt  }
0x5d: {  	_ =	shalt  }
0x5e: {  	_ =	shalt  }
0x5f: {  	_ =	shalt  }
0x60: {  	_ =	shalt  }
0x61: {  	_ =	shalt  }
0x62: {  	_ =	shalt  }
0x63: {  	_ =	shalt  }
0x64: {  	_ =	shalt  }
0x65: {  	_ =	shalt  }
0x66: {  	_ =	shalt  }
0x67: {  	_ =	shalt  }
0x68: {  	_ =	shalt  }
0x69: {  	_ =	shalt  }
0x6a: {  	_ =	shalt  }
0x6b: {  	_ =	shalt  }
0x6c: {  	_ =	shalt  }
0x6d: {  	_ =	shalt  }
0x6e: {  	_ =	shalt  }
0x6f: {  	_ =	shalt  }
0x70: {  	_ =	shalt  }
0x71: {  	_ =	shalt  }
0x72: {  	_ =	shalt  }
0x73: {  	_ =	shalt  }
0x74: {  	_ =	shalt  }
0x75: {  	_ =	shalt  }
0x76: {  	_ =	shalt  }
0x77: {  	_ =	shalt  }
0x78: {  	_ =	shalt  }
0x79: {  	_ =	shalt  }
0x7a: {  	_ =	shalt  }
0x7b: {  	_ =	shalt  }
0x7c: {  	_ =	shalt  }
0x7d: {  	_ =	shalt  }
0x7e: {  	_ =	shalt  }
0x7f: {  	_ =	shalt  }
0x80: {  	_ =	shalt  }
0x81: {  	_ =	shalt  }
0x82: {  	_ =	shalt  }
0x83: {  	_ =	shalt  }
0x84: {  	_ =	shalt  }
0x85: {  	_ =	shalt  }
0x86: {  	_ =	shalt  }
0x87: {  	_ =	shalt  }
.Lfunc_end0:
.L_simem_size_0:
called_computation.1_lowered:
.L_overlay_start_0:
0x88: {  	s2 =	sld [smem:$0x3FD9]  }
0x89: {  	s3 =	sld [smem:$0x3FFE];
	_ =	sdelay $0x1  }
0x8a: {  	s1 =	srdreg.scid  }
0x8b: {  	s0 =	sand.u32 $0x1, s1  }
0x8c: {  	s17 =	sshll.u32 s0, $0xA;
	s2 =	sadd.s32 s3, s2  }
0x8d: {  	s2 =	sadd.s32 s2, s17  }
0x8e: {  	[smem:$0x3FC2] =	sst s2  }
0x8f: {  	_ = 	snop  }
0x90: {  	s2 =	sld [smem:$0x3FC8]  }
0x91: {  	s18 =	sld [smem:$0x3FC7]  }
0x92: {  	s4 =	sld [smem:$0x3FC6]  }
0x93: {  	s5 =	sld [smem:$0x3FD0];
	(tm) =	ssettm $0x1  }
0x94: {  	s6 =	sld [smem:$0x3FFB];
	_ =	sdelay $0x3  }
0x95: {  	_ =	strace s6  }
0x96: {  	s6 =	sld [smem:$0x3FFC];
	_ =	sdelay $0x3  }
0x97: {  	_ =	strace s6  }
0x98: {  	s6 =	sld [smem:$0x3FFD];
	_ =	sdelay $0x3  }
0x99: {  	_ =	strace s6  }
0x9a: {  	_ =	strace $0x8FFFFFFF  }
0x9b: {  	s19 =	sld [smem:$0x3FDB];
	_ =	sdelay $0x1  }
0x9c: {  	s7 =	simm.s32 $_scs_section_size  }
0x9d: {  	s8 =	simm.s32 $_size__tile_overlayer_lowered;
	s9 =	simm.s32 $_tile_overlayer_lowered  }
0x9e: {  	s22 =	simm.s32 $0x1BFF;
	s21 =	sshll.u32 s9, $0x1;
	s6 =	sadd.s32 s7, s19  }
0x9f: {  	s10 =	simm.s32 $0x0;
	s20 =	sshll.u32 s8, $0x1;
	s8 =	sadd.s32 s21, s6  }
0xa0: {  	[timem:s10], [sflag:s22] =	dma.local [hbm:s8], s20  }
0xa1: {  	_ =	swait.ge [sflag:s22], s20  }
0xa2: {  	s7 =	ssub.s32 $0x0, s20;
	[sflag:s22] =	ssyncset.done $0x0  }
0xa3: {  	[sflag:s22] =	ssyncadd.s32 s7;
	_ =	sdelay $0x1  }
0xa4: {  	s23 =	simm.s32 $0x1B8B  }
0xa5: {  	_ =	swait.ge [sflag:s23], $0x1  }
0xa6: {  	[sflag:s23] =	ssyncset.done $0x0  }
0xa7: {  	s25 =	simm.s32 $0x1B8E;
	s24 =	sld [smem:$0x3FFE];
	[sflag:s23] =	ssyncadd.s32 $0xFFFFFFFF  }
0xa8: {  	s26 =	simm.s32 $execute0_lowered;
	[smem:$0x3FD2] =	sst s25  }
0xa9: {  	s8 =	sshll.u32 s26, $0x1;
	_ =	strace $0x80000046;
	[dreg:$0x1] =	wrdreg $0xFFFFFFFF  }
0xaa: {  	s28 =	simm.s32 $_size_execute0_lowered;
	s6 =	sadd.s32 s6, s8;
	[dreg:$0x0] =	wrdreg $0x0  }
0xab: {  	s8 =	sshll.u32 s28, $0x1;
	[dreg:$0x2] =	wrdreg s6  }
0xac: {  	[dreg:$0x3] =	wrdreg s8  }
0xad: {  	[dreg:$0x4] =	wrdreg $0xC0  }
0xae: {  	_ =	task [dreg:s10], $0x5FFFF  }
0xaf: {  	[dreg:$0x1] =	wrdreg $0xFFFFFFFF  }
0xb0: {  	[dreg:$0x0] =	wrdreg $0x60  }
0xb1: {  	[dreg:$0x2] =	wrdreg s24  }
0xb2: {  	[dreg:$0x3] =	wrdreg s2  }
0xb3: {  	[dreg:$0x4] =	wrdreg s18  }
0xb4: {  	[dreg:$0x5] =	wrdreg s4  }
0xb5: {  	[dreg:$0x6] =	wrdreg s5  }
0xb6: {  	[dreg:$0x7] =	wrdreg $0x9  }
0xb7: {  	_ =	task.clear_ibuf [dreg:s10], $0x8FFFF;
	_ =	strace $0x90000046  }
0xb8: {  	s29 =	simm.s32 $0x9;
	_ =	strace $0x80000048  }
0xb9: {  	_ =	swait.ge [sflag:s29], $0x1  }
0xba: {  	[sflag:s29] =	ssyncadd.s32 $0xFFFFFFFF  }
0xbb: {  	_ =	strace $0x90000048  }
0xbc: {  	_ =	sfence  }
0xbd: {  	s30 =	sld [smem:$0x0];
	_ =	sdelay $0x2  }
0xbe: {  	s31 =	sshll.u32 s1, $0xD;
	s1 =	sshrl.u32 s1, $0x2  }
0xbf: {  	s3 =	sand.u32 $0x4000, s31;
	s1 =	sadd.s32 s1, s30  }
0xc0: {  	s0 =	sor.u32 s3, s0;
	s1 =	sshll.u32 s1, $0x11  }
0xc1: {  	s0 =	sor.u32 s1, s0  }
0xc2: {  	s0 =	sadd.s32 $0x8F2B, s0  }
0xc3: {  	[sflag:s0] =	ssyncadd.remote.s32 $0x1  }
0xc4: {  	_ =	sfence.sel $0xFFFF  }
0xc5: {  	[dreg:$0x0] =	wrdreg $0xFFFFFFFF;
	(pc) =	sbr.abs _section_cstart, $3  }
0xc6: {  	[dreg:$0x1] =	wrdreg $0xFFFFFFFF  }
0xc7: {  	_ =	task.clear_ibuf [dreg:s10], $0x2FFFF;
	_ =	strace $0x9FFFFFFF  }
0xc8: {  	(tm) =	ssettm $0x7FFFFFFF  }
0xc9: {  	_ =	shalt  }
tec
execute0_lowered:
.L_overlay_start_1:
0x0: {  	(tag) =	ssettag $0x1  }
0x1: {  	s5 =	rddreg [dreg:$0x0]  }
0x2: {  	s6 =	rddreg [dreg:$0x1]  }
0x3: {  	s1 =	rddreg [dreg:$0x2]  }
0x4: {  	s3 =	rddreg [dreg:$0x3]  }
0x5: {  	s7 =	rddreg [dreg:$0x4]  }
0x6: {  	s0 =	rddreg [dreg:$0x5]  }
0x7: {  	s8 =	srdreg.scid;
	s2 =	stileid.u32  }
0x8: {  	s4 =	simm.s32 $0x0;
	s12 =	simm.s32 $0x480;
	s13 =	simm.s32 $0x4480  }
0x9: {  	s14 =	simm.s32 $0x100;
	s15 =	simm.s32 $0x8480;
	s16 =	simm.s32 $0x180  }
0xa: {  	s17 =	simm.s32 $0xC480;
	s18 =	simm.s32 $0x200;
	s19 =	simm.s32 $0x10480  }
0xb: {  	s20 =	simm.s32 $0x20;
	s21 =	simm.s32 $0x14480;
	s22 =	simm.s32 $0x1  }
0xc: {  	s23 =	simm.s32 $0x15480;
	s8 =	sand.u32 $0x1, s8;
	s9 =	sshll.u32 s2, $0x1  }
0xd: {  	s24 =	simm.s32 $0x0;
	[smem:$0x7FF] =	sst s4;
	s9 =	sor.u32 s8, s9  }
0xe: {  	s8 =	ssub.s32 $0x2, s8;
	_ =	strace $0x80000047;
	s10 =	sshll.u32 s9, $0x7  }
0xf: {  	s11 =	sshrl.u32 s8, $0x1;
	s31 =	sshll.u32 s9, $0x2;
	s9 =	sshll.u32 s9, $0x9  }
0x10: {  	s5 =	sadd.s32 s10, s5;
	s8 =	ssub.s32 s8, s11;
	s6 =	sadd.s32 s6, s31  }
0x11: {  	s7 =	sadd.s32 s7, s9;
	s9 =	simm.s32 $0x2;
	s10 =	simm.s32 $0x400  }
0x12: {  	s11 =	simm.s32 $0x80;
	s5 =	sadd.s32 $0xC00, s5;
	s8 =	smax.u32 s8, $0x1  }
.LBB2_1:
0x13: {  	[tilespmem:s4], [sflag:$0x2] =	stream.linear.gather [hbm4b:s5+s4], $0x280, $0x38;
	[tilespmem:$0x16480] =	vst v63  }
0x14: {  	_ =	swait.ge [sflag:s9], $0x280  }
0x15: {  	[sflag:s9] =	ssyncset.done $0x0  }
0x16: {  	[sflag:s9] =	ssyncadd.s32 $0xFFFFFD80  }
0x17: {  	[tilespmem:s10], [sflag:$0x2] =	stream.linear.gather [hbm4b:s6+s4], $0x20, $0x38;
	[tilespmem:$0x16480] =	vst v63  }
0x18: {  	_ =	swait.ge [sflag:s9], $0x20  }
0x19: {  	[sflag:s9] =	ssyncset.done $0x0  }
0x1a: {  	[sflag:s9] =	ssyncadd.s32 $0xFFFFFFE0  }
0x1b: {  	[tilespmem:s12], [sflag:$0x1] =	stream.indirect.gather [hbm4b:s1+s11], $0x80, s4, s11, $0xb8;
	[tilespmem:$0x16480] =	vst v63  }
0x1c: {  	_ = 	snop  }
0x1d: {  	[tilespmem:s13], [sflag:$0x1] =	stream.indirect.gather [hbm4b:s1+s11], $0x80, s11, s11, $0xb8;
	[tilespmem:$0x16480] =	vst v63  }
0x1e: {  	_ = 	snop  }
0x1f: {  	[tilespmem:s15], [sflag:$0x1] =	stream.indirect.gather [hbm4b:s1+s11], $0x80, s14, s11, $0xb8;
	[tilespmem:$0x16480] =	vst v63  }
0x20: {  	_ = 	snop  }
0x21: {  	[tilespmem:s17], [sflag:$0x1] =	stream.indirect.gather [hbm4b:s1+s11], $0x80, s16, s11, $0xb8;
	[tilespmem:$0x16480] =	vst v63  }
0x22: {  	_ = 	snop  }
0x23: {  	[tilespmem:s19], [sflag:$0x1] =	stream.indirect.gather [hbm4b:s1+s11], $0x80, s18, s11, $0xb8;
	[tilespmem:$0x16480] =	vst v63  }
0x24: {  	_ = 	snop  }
0x25: {  	[tilespmem:s21], [sflag:$0x1] =	stream.indirect.gather [hbm4b:s3+s20], $0x80, s10, s20, $0xb8;
	[tilespmem:$0x16480] =	vst v63  }
0x26: {  	_ =	swait.ge [sflag:s22], $0x4000  }
0x27: {  	[sflag:s22] =	ssyncset.done $0x0  }
0x28: {  	[sflag:s22] =	ssyncadd.s32 $0xFFFFC000  }
0x29: {  	_ =	swait.ge [sflag:s22], $0x4000  }
0x2a: {  	[sflag:s22] =	ssyncset.done $0x0  }
0x2b: {  	[sflag:s22] =	ssyncadd.s32 $0xFFFFC000  }
0x2c: {  	_ =	swait.ge [sflag:s22], $0x4000  }
0x2d: {  	[sflag:s22] =	ssyncset.done $0x0  }
0x2e: {  	[sflag:s22] =	ssyncadd.s32 $0xFFFFC000  }
0x2f: {  	_ =	swait.ge [sflag:s22], $0x4000  }
0x30: {  	[sflag:s22] =	ssyncset.done $0x0  }
0x31: {  	[sflag:s22] =	ssyncadd.s32 $0xFFFFC000  }
0x32: {  	_ =	swait.ge [sflag:s22], $0x4000  }
0x33: {  	[sflag:s22] =	ssyncset.done $0x0  }
0x34: {  	[sflag:s22] =	ssyncadd.s32 $0xFFFFC000  }
0x35: {  	_ =	swait.ge [sflag:s22], $0x1000  }
0x36: {  	[sflag:s22] =	ssyncset.done $0x0  }
0x37: {  	s25 =	simm.s32 $0x980;
	s26 =	simm.s32 $0x0;
	[sflag:s22] =	ssyncadd.s32 $0xFFFFF000  }
.LBB2_2:
0x38: {  	v8 =	vld [tilespmem:s25+$0xFFFFFB00]  }
0x39: {  	v9 =	vld [tilespmem:s25+$0xFFFFFB10]  }
0x3a: {  	v10 =	vld [tilespmem:s25+$0xFFFFFB20]  }
0x3b: {  	v11 =	vld [tilespmem:s25+$0xFFFFFB30]  }
0x3c: {  	v12 =	vld [tilespmem:s25+$0xFFFFFB40]  }
0x3d: {  	v13 =	vld [tilespmem:s25+$0xFFFFFB50]  }
0x3e: {  	v14 =	vld [tilespmem:s25+$0xFFFFFB60]  }
0x3f: {  	v15 =	vld [tilespmem:s25+$0xFFFFFB70]  }
0x40: {  	v16 =	vld [tilespmem:s25+$0xFFFFFB80]  }
0x41: {  	v17 =	vld [tilespmem:s25+$0xFFFFFB90]  }
0x42: {  	v18 =	vld [tilespmem:s25+$0xFFFFFBA0]  }
0x43: {  	v19 =	vld [tilespmem:s25+$0xFFFFFBB0]  }
0x44: {  	v20 =	vld [tilespmem:s25+$0xFFFFFBC0]  }
0x45: {  	v21 =	vld [tilespmem:s25+$0xFFFFFBD0]  }
0x46: {  	v22 =	vld [tilespmem:s25+$0xFFFFFBE0]  }
0x47: {  	v23 =	vld [tilespmem:s25+$0xFFFFFBF0]  }
0x48: {  	v24 =	vld [tilespmem:s25+$0xFFFFFC00]  }
0x49: {  	v25 =	vld [tilespmem:s25+$0xFFFFFC10]  }
0x4a: {  	v26 =	vld [tilespmem:s25+$0xFFFFFC20]  }
0x4b: {  	v27 =	vld [tilespmem:s25+$0xFFFFFC30]  }
0x4c: {  	v62 =	vld [tilespmem:s25+$0xFFFFFE60]  }
0x4d: {  	v28 =	vld [tilespmem:s25+$0xFFFFFC40]  }
0x4e: {  	v29 =	vld [tilespmem:s25+$0xFFFFFC50]  }
0x4f: {  	v30 =	vld [tilespmem:s25+$0xFFFFFC60]  }
0x50: {  	v31 =	vld [tilespmem:s25+$0xFFFFFC70]  }
0x51: {  	[tilespmem:$0x1FE20] =	vst v62;
	v62 =	vld [tilespmem:s25+$0xFFFFFE80]  }
0x52: {  	v32 =	vld [tilespmem:s25+$0xFFFFFC80]  }
0x53: {  	v33 =	vld [tilespmem:s25+$0xFFFFFC90]  }
0x54: {  	v34 =	vld [tilespmem:s25+$0xFFFFFCA0]  }
0x55: {  	v35 =	vld [tilespmem:s25+$0xFFFFFCB0]  }
0x56: {  	[tilespmem:$0x1FE30] =	vst v62;
	v62 =	vld [tilespmem:s25+$0xFFFFFE90]  }
0x57: {  	v36 =	vld [tilespmem:s25+$0xFFFFFCC0]  }
0x58: {  	v37 =	vld [tilespmem:s25+$0xFFFFFCD0]  }
0x59: {  	v38 =	vld [tilespmem:s25+$0xFFFFFCE0]  }
0x5a: {  	v39 =	vld [tilespmem:s25+$0xFFFFFCF0]  }
0x5b: {  	[tilespmem:$0x1FE40] =	vst v62;
	v62 =	vld [tilespmem:s25+$0xFFFFFEA0]  }
0x5c: {  	v40 =	vld [tilespmem:s25+$0xFFFFFD00]  }
0x5d: {  	v41 =	vld [tilespmem:s25+$0xFFFFFD10]  }
0x5e: {  	v42 =	vld [tilespmem:s25+$0xFFFFFD20]  }
0x5f: {  	v43 =	vld [tilespmem:s25+$0xFFFFFD30]  }
0x60: {  	[tilespmem:$0x1FE50] =	vst v62;
	v62 =	vld [tilespmem:s25+$0xFFFFFEB0]  }
0x61: {  	v44 =	vld [tilespmem:s25+$0xFFFFFD40]  }
0x62: {  	v45 =	vld [tilespmem:s25+$0xFFFFFD50]  }
0x63: {  	v46 =	vld [tilespmem:s25+$0xFFFFFD60]  }
0x64: {  	v47 =	vld [tilespmem:s25+$0xFFFFFD70]  }
0x65: {  	[tilespmem:$0x1FE60] =	vst v62;
	v62 =	vld [tilespmem:s25+$0xFFFFFEC0]  }
0x66: {  	v48 =	vld [tilespmem:s25+$0xFFFFFD80]  }
0x67: {  	v49 =	vld [tilespmem:s25+$0xFFFFFD90]  }
0x68: {  	v50 =	vld [tilespmem:s25+$0xFFFFFDA0]  }
0x69: {  	v51 =	vld [tilespmem:s25+$0xFFFFFDB0]  }
0x6a: {  	[tilespmem:$0x1FE70] =	vst v62;
	v62 =	vld [tilespmem:s25+$0xFFFFFED0]  }
0x6b: {  	v52 =	vld [tilespmem:s25+$0xFFFFFDC0]  }
0x6c: {  	v53 =	vld [tilespmem:s25+$0xFFFFFDD0]  }
0x6d: {  	v54 =	vld [tilespmem:s25+$0xFFFFFDE0]  }
0x6e: {  	v55 =	vld [tilespmem:s25+$0xFFFFFDF0]  }
0x6f: {  	[tilespmem:$0x1FE80] =	vst v62;
	v62 =	vld [tilespmem:s25+$0xFFFFFEE0]  }
0x70: {  	v56 =	vld [tilespmem:s25+$0xFFFFFE00]  }
0x71: {  	v57 =	vld [tilespmem:s25+$0xFFFFFE10]  }
0x72: {  	v58 =	vld [tilespmem:s25+$0xFFFFFE20]  }
0x73: {  	v59 =	vld [tilespmem:s25+$0xFFFFFE30]  }
0x74: {  	[tilespmem:$0x1FE90] =	vst v62;
	v62 =	vld [tilespmem:s25+$0xFFFFFEF0]  }
0x75: {  	v60 =	vld [tilespmem:s25+$0xFFFFFE40]  }
0x76: {  	v61 =	vld [tilespmem:s25+$0xFFFFFE50]  }
0x77: {  	s28 =	sshra.s32 s26, $0x2;
	v63 =	vld [tilespmem:s25+$0xFFFFFE70]  }
0x78: {  	v0 =	vld [tilespmem:s28+$0x14480]  }
0x79: {  	[tilespmem:$0x1FEA0] =	vst v62;
	v62 =	vld [tilespmem:s25+$0xFFFFFF00]  }
0x7a: {  	v1 =	vld [tilespmem:s28+$0x14490]  }
0x7b: {  	v2 =	vld [tilespmem:s28+$0x144A0]  }
0x7c: {  	v3 =	vld [tilespmem:s28+$0x144B0]  }
0x7d: {  	v4 =	vld [tilespmem:s28+$0x144C0]  }
0x7e: {  	[tilespmem:$0x1FEB0] =	vst v62;
	v62 =	vld [tilespmem:s25+$0xFFFFFF10]  }
0x7f: {  	v5 =	vld [tilespmem:s28+$0x144D0]  }
0x80: {  	v6 =	vld [tilespmem:s28+$0x144E0]  }
0x81: {  	v7 =	vld [tilespmem:s28+$0x144F0]  }
0x82: {  	v0 =	vadd.f32 v8, v0;
	v8 =	vld [tilespmem:s25+$0x50]  }
0x83: {  	[tilespmem:$0x1FEC0] =	vst v62;
	v62 =	vld [tilespmem:s25+$0xFFFFFF20]  }
0x84: {  	v1 =	vadd.f32 v9, v1;
	v9 =	vld [tilespmem:s25+$0x60]  }
0x85: {  	v2 =	vadd.f32 v10, v2;
	v10 =	vld [tilespmem:s25+$0x70]  }
0x86: {  	v3 =	vadd.f32 v11, v3;
	v11 =	vld [tilespmem:s25+$0x80]  }
0x87: {  	v4 =	vadd.f32 v12, v4;
	v12 =	vld [tilespmem:s25+$0x90]  }
0x88: {  	[tilespmem:$0x1FED0] =	vst v62;
	v62 =	vld [tilespmem:s25+$0xFFFFFF30]  }
0x89: {  	v5 =	vadd.f32 v13, v5;
	v13 =	vld [tilespmem:s25+$0xA0]  }
0x8a: {  	v6 =	vadd.f32 v14, v6;
	v14 =	vld [tilespmem:s25+$0xB0]  }
0x8b: {  	v7 =	vadd.f32 v15, v7;
	v15 =	vld [tilespmem:s25+$0xC0]  }
0x8c: {  	v0 =	vadd.f32 v16, v0;
	v16 =	vld [tilespmem:s25+$0xD0]  }
0x8d: {  	[tilespmem:$0x1FEE0] =	vst v62;
	v62 =	vld [tilespmem:s25+$0xFFFFFF40]  }
0x8e: {  	v1 =	vadd.f32 v17, v1;
	v17 =	vld [tilespmem:s25+$0xE0]  }
0x8f: {  	v2 =	vadd.f32 v18, v2;
	v18 =	vld [tilespmem:s25+$0xF0]  }
0x90: {  	v3 =	vadd.f32 v19, v3;
	v19 =	vld [tilespmem:s25+$0x100]  }
0x91: {  	v4 =	vadd.f32 v20, v4;
	v20 =	vld [tilespmem:s25+$0x110]  }
0x92: {  	[tilespmem:$0x1FEF0] =	vst v62;
	v62 =	vld [tilespmem:s25+$0xFFFFFF50]  }
0x93: {  	v5 =	vadd.f32 v21, v5;
	v21 =	vld [tilespmem:s25+$0x120]  }
0x94: {  	v6 =	vadd.f32 v22, v6;
	v22 =	vld [tilespmem:s25+$0x130]  }
0x95: {  	v7 =	vadd.f32 v23, v7;
	v23 =	vld [tilespmem:s25+$0x140]  }
0x96: {  	v0 =	vadd.f32 v24, v0;
	v24 =	vld [tilespmem:s25+$0x150]  }
0x97: {  	[tilespmem:$0x1FF00] =	vst v62;
	v62 =	vld [tilespmem:s25+$0xFFFFFF60]  }
0x98: {  	v1 =	vadd.f32 v25, v1;
	v25 =	vld [tilespmem:s25+$0x160]  }
0x99: {  	v2 =	vadd.f32 v26, v2;
	v26 =	vld [tilespmem:s25+$0x170]  }
0x9a: {  	v3 =	vadd.f32 v27, v3;
	v27 =	vld [tilespmem:s25+$0x180]  }
0x9b: {  	v4 =	vadd.f32 v28, v4;
	v28 =	vld [tilespmem:s25+$0x190]  }
0x9c: {  	[tilespmem:$0x1FF10] =	vst v62;
	v62 =	vld [tilespmem:s25+$0xFFFFFF70]  }
0x9d: {  	v5 =	vadd.f32 v29, v5;
	v29 =	vld [tilespmem:s25+$0x1A0]  }
0x9e: {  	v6 =	vadd.f32 v30, v6;
	v30 =	vld [tilespmem:s25+$0x1B0]  }
0x9f: {  	v7 =	vadd.f32 v31, v7;
	v31 =	vld [tilespmem:s25+$0x1C0]  }
0xa0: {  	v0 =	vadd.f32 v32, v0;
	v32 =	vld [tilespmem:s25+$0x1D0]  }
0xa1: {  	[tilespmem:$0x1FF20] =	vst v62;
	v62 =	vld [tilespmem:s25+$0xFFFFFF80]  }
0xa2: {  	v1 =	vadd.f32 v33, v1;
	v33 =	vld [tilespmem:s25+$0x1E0]  }
0xa3: {  	v2 =	vadd.f32 v34, v2;
	v34 =	vld [tilespmem:s25+$0x1F0]  }
0xa4: {  	v3 =	vadd.f32 v35, v3;
	v35 =	vld [tilespmem:s25+$0x200]  }
0xa5: {  	v4 =	vadd.f32 v36, v4;
	v36 =	vld [tilespmem:s25+$0x210]  }
0xa6: {  	[tilespmem:$0x1FF30] =	vst v62;
	v62 =	vld [tilespmem:s25+$0xFFFFFF90]  }
0xa7: {  	v5 =	vadd.f32 v37, v5;
	v37 =	vld [tilespmem:s25+$0x220]  }
0xa8: {  	v6 =	vadd.f32 v38, v6;
	v38 =	vld [tilespmem:s25+$0x230]  }
0xa9: {  	v7 =	vadd.f32 v39, v7;
	v39 =	vld [tilespmem:s25+$0x240]  }
0xaa: {  	v0 =	vadd.f32 v40, v0;
	v40 =	vld [tilespmem:s25+$0x250]  }
0xab: {  	[tilespmem:$0x1FF40] =	vst v62;
	v62 =	vld [tilespmem:s25+$0xFFFFFFA0]  }
0xac: {  	v1 =	vadd.f32 v41, v1;
	v41 =	vld [tilespmem:s25+$0x260]  }
0xad: {  	v2 =	vadd.f32 v42, v2;
	v6 =	vadd.f32 v46, v6;
	v42 =	vld [tilespmem:s25+$0x270]  }
0xae: {  	v3 =	vadd.f32 v43, v3;
	v43 =	vld [tilespmem:s25+$0x280]  }
0xaf: {  	v7 =	vadd.f32 v47, v7;
	v6 =	vadd.f32 v54, v6;
	v54 =	vld [tilespmem:$0x1FE20]  }
0xb0: {  	v0 =	vadd.f32 v48, v0;
	[tilespmem:$0x1FF50] =	vst v62;
	v62 =	vld [tilespmem:s25+$0xFFFFFFB0]  }
0xb1: {  	v1 =	vadd.f32 v49, v1;
	v7 =	vadd.f32 v55, v7;
	v55 =	vld [tilespmem:$0x1FE30]  }
0xb2: {  	v2 =	vadd.f32 v50, v2;
	v0 =	vadd.f32 v56, v0;
	v56 =	vld [tilespmem:$0x1FE40]  }
0xb3: {  	v4 =	vadd.f32 v44, v4;
	v1 =	vadd.f32 v57, v1;
	v57 =	vld [tilespmem:$0x1FE50]  }
0xb4: {  	v3 =	vadd.f32 v51, v3;
	v2 =	vadd.f32 v58, v2;
	v58 =	vld [tilespmem:$0x1FE60]  }
0xb5: {  	v5 =	vadd.f32 v45, v5;
	v4 =	vadd.f32 v52, v4;
	[tilespmem:$0x1FF60] =	vst v62;
	v62 =	vld [tilespmem:s25+$0xFFFFFFC0]  }
0xb6: {  	v3 =	vadd.f32 v59, v3;
	v59 =	vld [tilespmem:$0x1FE70]  }
0xb7: {  	v5 =	vadd.f32 v53, v5;
	v4 =	vadd.f32 v60, v4;
	v60 =	vld [tilespmem:$0x1FE80]  }
0xb8: {  	v44 =	vld [tilespmem:$0x1FEC0]  }
0xb9: {  	v5 =	vadd.f32 v61, v5;
	v61 =	vld [tilespmem:$0x1FE90]  }
0xba: {  	[tilespmem:$0x1FF70] =	vst v62;
	v62 =	vld [tilespmem:s25+$0xFFFFFFD0]  }
0xbb: {  	v7 =	vadd.f32 v63, v7;
	v1 =	vadd.f32 v56, v1;
	v63 =	vld [tilespmem:$0x1FEB0]  }
0xbc: {  	v45 =	vld [tilespmem:$0x1FED0]  }
0xbd: {  	v1 =	vadd.f32 v44, v1;
	v44 =	vld [tilespmem:s25+$0x290]  }
0xbe: {  	v46 =	vld [tilespmem:$0x1FEE0]  }
0xbf: {  	v2 =	vadd.f32 v57, v2;
	[tilespmem:$0x1FF80] =	vst v62;
	v62 =	vld [tilespmem:s25+$0xFFFFFFE0]  }
0xc0: {  	v47 =	vld [tilespmem:$0x1FEF0]  }
0xc1: {  	v3 =	vadd.f32 v58, v3;
	v2 =	vadd.f32 v45, v2;
	v45 =	vld [tilespmem:s25+$0x2A0]  }
0xc2: {  	v48 =	vld [tilespmem:$0x1FF00]  }
0xc3: {  	v4 =	vadd.f32 v59, v4;
	v3 =	vadd.f32 v46, v3;
	v46 =	vld [tilespmem:s25+$0x2B0]  }
0xc4: {  	[tilespmem:$0x1FF90] =	vst v62;
	v62 =	vld [tilespmem:s25+$0xFFFFFFF0]  }
0xc5: {  	v5 =	vadd.f32 v60, v5;
	v4 =	vadd.f32 v47, v4;
	v47 =	vld [tilespmem:s25+$0x2C0]  }
0xc6: {  	v49 =	vld [tilespmem:$0x1FF10]  }
0xc7: {  	v6 =	vadd.f32 v54, v6;
	v5 =	vadd.f32 v48, v5;
	v48 =	vld [tilespmem:s25+$0x2D0]  }
0xc8: {  	v50 =	vld [tilespmem:$0x1FF20]  }
0xc9: {  	v6 =	vadd.f32 v61, v6;
	[tilespmem:$0x1FFA0] =	vst v62;
	v62 =	vld [tilespmem:s25+$0x0]  }
0xca: {  	v51 =	vld [tilespmem:$0x1FF30]  }
0xcb: {  	v0 =	vadd.f32 v55, v0;
	v6 =	vadd.f32 v49, v6;
	v49 =	vld [tilespmem:s25+$0x2E0]  }
0xcc: {  	v52 =	vld [tilespmem:$0x1FF40]  }
0xcd: {  	v0 =	vadd.f32 v63, v0;
	v56 =	vld [tilespmem:$0x1FF80]  }
0xce: {  	[tilespmem:$0x1FFB0] =	vst v62;
	v62 =	vld [tilespmem:s25+$0x10]  }
0xcf: {  	v0 =	vadd.f32 v51, v0;
	v51 =	vld [tilespmem:s25+$0x460]  }
0xd0: {  	v53 =	vld [tilespmem:$0x1FF50]  }
0xd1: {  	v54 =	vld [tilespmem:$0x1FF60]  }
0xd2: {  	v57 =	vld [tilespmem:$0x1FF90]  }
0xd3: {  	v5 =	vadd.f32 v56, v5;
	[tilespmem:$0x1FFC0] =	vst v62;
	v62 =	vld [tilespmem:s25+$0x20]  }
0xd4: {  	v55 =	vld [tilespmem:$0x1FF70]  }
0xd5: {  	v5 =	vadd.f32 v8, v5;
	v59 =	vld [tilespmem:$0x1FFB0]  }
0xd6: {  	v1 =	vadd.f32 v52, v1;
	v52 =	vld [tilespmem:s25+$0x2F0]  }
0xd7: {  	v5 =	vadd.f32 v16, v5;
	v6 =	vadd.f32 v57, v6;
	v60 =	vld [tilespmem:$0x1FFC0]  }
0xd8: {  	v2 =	vadd.f32 v53, v2;
	v3 =	vadd.f32 v54, v3;
	[tilespmem:$0x1FFD0] =	vst v62;
	v62 =	vld [tilespmem:s25+$0x30]  }
0xd9: {  	v53 =	vld [tilespmem:s25+$0x300];
	v5 =	vadd.f32 v24, v5;
	v6 =	vadd.f32 v9, v6  }
0xda: {  	v54 =	vld [tilespmem:s25+$0x310];
	v4 =	vadd.f32 v55, v4;
	v0 =	vadd.f32 v59, v0  }
0xdb: {  	v55 =	vld [tilespmem:s25+$0x320];
	v5 =	vadd.f32 v32, v5;
	v6 =	vadd.f32 v17, v6  }
0xdc: {  	v0 =	vadd.f32 v11, v0;
	v1 =	vadd.f32 v60, v1;
	v61 =	vld [tilespmem:$0x1FFD0]  }
0xdd: {  	v5 =	vadd.f32 v40, v5;
	v6 =	vadd.f32 v25, v6;
	[tilespmem:$0x1FFE0] =	vst v62;
	v62 =	vld [tilespmem:s25+$0x40]  }
0xde: {  	v56 =	vld [tilespmem:s25+$0x330];
	v0 =	vadd.f32 v19, v0;
	v1 =	vadd.f32 v12, v1  }
0xdf: {  	v58 =	vld [tilespmem:$0x1FFA0];
	v5 =	vadd.f32 v48, v5;
	v6 =	vadd.f32 v33, v6  }
0xe0: {  	v59 =	vld [tilespmem:s25+$0x360];
	v0 =	vadd.f32 v27, v0;
	v1 =	vadd.f32 v20, v1  }
0xe1: {  	v6 =	vadd.f32 v41, v6;
	v2 =	vadd.f32 v61, v2;
	v61 =	vld [tilespmem:s25+$0x380]  }
0xe2: {  	v0 =	vadd.f32 v35, v0;
	v1 =	vadd.f32 v28, v1;
	[tilespmem:$0x1FFF0] =	vst v62;
	v62 =	vld [tilespmem:$0x1FEA0]  }
0xe3: {  	v6 =	vadd.f32 v49, v6;
	v2 =	vadd.f32 v13, v2;
	v63 =	vld [tilespmem:$0x1FFF0]  }
0xe4: {  	v57 =	vld [tilespmem:s25+$0x340];
	v0 =	vadd.f32 v43, v0;
	v1 =	vadd.f32 v36, v1  }
0xe5: {  	v32 =	vld [tilespmem:s25+$0x3B0];
	v6 =	vadd.f32 v59, v6;
	v2 =	vadd.f32 v21, v2  }
0xe6: {  	v40 =	vld [tilespmem:s25+$0x3F0];
	v0 =	vadd.f32 v53, v0;
	v1 =	vadd.f32 v44, v1  }
0xe7: {  	v2 =	vadd.f32 v29, v2;
	v7 =	vadd.f32 v62, v7;
	v62 =	vld [tilespmem:$0x1FFE0]  }
0xe8: {  	v48 =	vld [tilespmem:s25+$0x430];
	v0 =	vadd.f32 v61, v0;
	v4 =	vadd.f32 v63, v4  }
0xe9: {  	v49 =	vld [tilespmem:s25+$0x440];
	v2 =	vadd.f32 v37, v2;
	v7 =	vadd.f32 v50, v7  }
0xea: {  	v1 =	vadd.f32 v54, v1;
	v63 =	vld [tilespmem:s25+$0x3A0];
	v4 =	vadd.f32 v15, v4  }
0xeb: {  	v60 =	vld [tilespmem:s25+$0x370];
	v2 =	vadd.f32 v45, v2;
	v7 =	vadd.f32 v58, v7  }
0xec: {  	v58 =	vld [tilespmem:s25+$0x350];
	v3 =	vadd.f32 v62, v3;
	v4 =	vadd.f32 v23, v4  }
0xed: {  	v2 =	vadd.f32 v55, v2;
	v62 =	vld [tilespmem:s25+$0x390];
	v7 =	vadd.f32 v10, v7  }
0xee: {  	v59 =	vld [tilespmem:s25+$0x4E0];
	v3 =	vadd.f32 v14, v3;
	v4 =	vadd.f32 v31, v4  }
0xef: {  	v36 =	vld [tilespmem:s25+$0x3D0];
	v2 =	vadd.f32 v63, v2;
	v7 =	vadd.f32 v18, v7  }
0xf0: {  	v44 =	vld [tilespmem:s25+$0x410];
	v3 =	vadd.f32 v22, v3;
	v4 =	vadd.f32 v39, v4  }
0xf1: {  	v53 =	vld [tilespmem:s25+$0x480];
	v5 =	vadd.f32 v58, v5;
	v7 =	vadd.f32 v26, v7  }
0xf2: {  	v54 =	vld [tilespmem:s25+$0x490];
	v1 =	vadd.f32 v62, v1;
	v3 =	vadd.f32 v30, v3  }
0xf3: {  	v4 =	vadd.f32 v47, v4;
	v7 =	vadd.f32 v34, v7;
	v34 =	vld [tilespmem:s25+$0x3C0]  }
0xf4: {  	v5 =	vadd.f32 v36, v5;
	v3 =	vadd.f32 v38, v3;
	v38 =	vld [tilespmem:s25+$0x3E0]  }
0xf5: {  	v1 =	vadd.f32 v44, v1;
	v7 =	vadd.f32 v42, v7;
	v42 =	vld [tilespmem:s25+$0x400]  }
0xf6: {  	v50 =	vld [tilespmem:s25+$0x450];
	v4 =	vadd.f32 v57, v4;
	v3 =	vadd.f32 v46, v3  }
0xf7: {  	v1 =	vadd.f32 v54, v1;
	v46 =	vld [tilespmem:s25+$0x420];
	v7 =	vadd.f32 v52, v7  }
0xf8: {  	v57 =	vld [tilespmem:s25+$0x4C0];
	v3 =	vadd.f32 v56, v3;
	v4 =	vadd.f32 v34, v4  }
0xf9: {  	v55 =	vld [tilespmem:s25+$0x4A0];
	v7 =	vadd.f32 v60, v7;
	v6 =	vadd.f32 v38, v6  }
0xfa: {  	v52 =	vld [tilespmem:s25+$0x470];
	v3 =	vadd.f32 v32, v3;
	v0 =	vadd.f32 v42, v0  }
0xfb: {  	v56 =	vld [tilespmem:s25+$0x4B0];
	v4 =	vadd.f32 v49, v4;
	v7 =	vadd.f32 v40, v7  }
0xfc: {  	v58 =	vld [tilespmem:s25+$0x4D0];
	v2 =	vadd.f32 v46, v2;
	v0 =	vadd.f32 v53, v0  }
0xfd: {  	v60 =	vld [tilespmem:s25+$0x4F0];
	[tilespmem:s28+$0x15490] =	vst v1;
	v62 =	vadd.f32 v51, v6;
	v4 =	vadd.f32 v57, v4  }
0xfe: {  	v3 =	vadd.f32 v48, v3;
	v2 =	vadd.f32 v55, v2;
	[tilespmem:s28+$0x15480] =	vst v0  }
0xff: {  	p0 =	sne.s32 s26, $0x3E00;
	v61 =	vadd.f32 v50, v5;
	v1 =	vadd.f32 v59, v62;
	[tilespmem:s28+$0x154C0] =	vst v4  }
.Ltmp0:
0x100: {  	v63 =	vadd.f32 v52, v7;
	v3 =	vadd.f32 v56, v3;
	[tilespmem:s28+$0x154A0] =	vst v2;
	(pc) =	sbr.rel @p0 .LBB2_2-.Ltmp0, $4  }
0x101: {  	v0 =	vadd.f32 v58, v61;
	[tilespmem:s28+$0x154E0] =	vst v1  }
0x102: {  	v2 =	vadd.f32 v60, v63;
	[tilespmem:s28+$0x154B0] =	vst v3  }
0x103: {  	[tilespmem:s28+$0x154D0] =	vst v0  }
0x104: {  	s26 =	sadd.s32 $0x200, s26;
	s25 =	sadd.s32 $0xA00, s25;
	[tilespmem:s28+$0x154F0] =	vst v2  }
0x105: {  	s24 =	sadd.s32 $0x1, s24  }
0x106: {  	p0 =	sne.s32 s24, s8  }
.Ltmp1:
0x107: {  	_ = 	snop;
	(pc) =	sbr.rel @p0 .LBB2_1-.Ltmp1, $4  }
0x108: {  	[hbm4b:s7+s4] =	stream.linear.scatter [tilespmem:s23], [sflag:$0x2], $0x1000, $0x38;
	[tilespmem:$0x16480] =	vst v63  }
0x109: {  	_ =	swait.ge [sflag:s9], $0x1000  }
0x10a: {  	[sflag:s9] =	ssyncset.done $0x0  }
0x10b: {  	[sflag:s9] =	ssyncadd.s32 $0xFFFFF000  }
0x10c: {  	_ =	sfence.sel $0x180000  }
0x10d: {  	[bflag:$0x0] =	sbarrier.arrive $0xFFFF  }
0x10e: {  	p0 =	sne.s32 s2, $0x0;
	_ =	strace $0x90000047  }
0x10f: {  	s0 =	sadd.s32 @!p0 $0x100000, s0;
	[bflag:$0x2] =	sbarrier.arrive $0xFFFF  }
0x110: {  	[sflag:s0] =	ssyncadd.tile.s32 @!p0 $0x1;
	_ =	shalt  }
.Lfunc_end2:
_tile_overlayer_lowered:
.L_overlay_start_2:
0x111: {  	(tag) =	ssettag $0x2  }
0x112: {  	s0 =	rddreg [dreg:$0x0];
	s2 =	stileid.u32  }
0x113: {  	s1 =	rddreg [dreg:$0x1];
	p0 =	sne.s32 s2, $0x0  }
0x114: {  	s3 =	rddreg [dreg:$0x2];
	[bflag:$0x3] =	sbarrier.arrive $0xFFFF;
	s2 =	simm.s32 @!p0 $0x1C02  }
0x115: {  	[timem:s3], [sflag:s2] =	dma.local @!p0 [hbm:s0], s1  }
0x116: {  	s0 =	simm.s32 @!p0 $0x2  }
0x117: {  	_ =	swait.ge @!p0 [sflag:s0], s1  }
0x118: {  	s1 =	ssub.s32 @!p0 $0x0, s1;
	[sflag:s0] =	ssyncset.done @!p0 $0x0  }
0x119: {  	[sflag:s0] =	ssyncadd.s32 @!p0 s1  }
0x11a: {  	[bflag:$0x3] =	sbarrier.arrive $0xFFFF  }
0x11b: {  	_ =	shalt  }

// kernel: sparse-core-data-format-call.cloned.1.call-start
scs
called_computation_lowered:
.L_overlay_start_0:
0x0: {  	s2 =	sld [smem:$0x3FD9]  }
0x1: {  	s3 =	sld [smem:$0x3FFE];
	_ =	sdelay $0x1  }
0x2: {  	s1 =	srdreg.scid  }
0x3: {  	s0 =	sand.u32 $0x1, s1  }
0x4: {  	s18 =	sshll.u32 s0, $0xA;
	s2 =	sadd.s32 s3, s2  }
0x5: {  	s2 =	sadd.s32 s2, s18  }
0x6: {  	[smem:$0x3FC2] =	sst s2  }
0x7: {  	_ = 	snop  }
0x8: {  	s2 =	sld [smem:$0x3FD0];
	(tm) =	ssettm $0x1  }
0x9: {  	s19 =	sld [smem:$0x3FFB];
	_ =	sdelay $0x3  }
0xa: {  	_ =	strace s19  }
0xb: {  	s3 =	sld [smem:$0x3FFC];
	_ =	sdelay $0x3  }
0xc: {  	_ =	strace s3  }
0xd: {  	s3 =	sld [smem:$0x3FFD];
	_ =	sdelay $0x3  }
0xe: {  	_ =	strace s3  }
0xf: {  	_ =	strace $0x8FFFFFFF  }
0x10: {  	s20 =	sld [smem:$0x3FDB];
	_ =	sdelay $0x1  }
0x11: {  	s4 =	simm.s32 $_scs_section_size  }
0x12: {  	s5 =	simm.s32 $_size__tile_overlayer_lowered;
	s6 =	simm.s32 $_tile_overlayer_lowered  }
0x13: {  	s23 =	simm.s32 $0x1BFF;
	s22 =	sshll.u32 s6, $0x1;
	s3 =	sadd.s32 s4, s20  }
0x14: {  	s7 =	simm.s32 $0x0;
	s21 =	sshll.u32 s5, $0x1;
	s5 =	sadd.s32 s22, s3  }
0x15: {  	[timem:s7], [sflag:s23] =	dma.local [hbm:s5], s21  }
0x16: {  	_ =	swait.ge [sflag:s23], s21  }
0x17: {  	s4 =	ssub.s32 $0x0, s21;
	[sflag:s23] =	ssyncset.done $0x0  }
0x18: {  	[sflag:s23] =	ssyncadd.s32 s4;
	_ =	sdelay $0x1  }
0x19: {  	s24 =	simm.s32 $0x1B8B  }
0x1a: {  	_ =	swait.ge [sflag:s24], $0x1  }
0x1b: {  	[sflag:s24] =	ssyncset.done $0x0  }
0x1c: {  	s26 =	simm.s32 $0x1B8E;
	s25 =	sld [smem:$0x3FFE];
	[sflag:s24] =	ssyncadd.s32 $0xFFFFFFFF  }
0x1d: {  	s27 =	simm.s32 $execute0_lowered;
	[smem:$0x3FD2] =	sst s26  }
0x1e: {  	s5 =	sshll.u32 s27, $0x1;
	_ =	strace $0x80000049;
	[dreg:$0x1] =	wrdreg $0xFFFFFFFF  }
0x1f: {  	s28 =	simm.s32 $_size_execute0_lowered;
	s3 =	sadd.s32 s3, s5;
	[dreg:$0x0] =	wrdreg $0x0  }
0x20: {  	s5 =	sshll.u32 s28, $0x1;
	[dreg:$0x2] =	wrdreg s3  }
0x21: {  	[dreg:$0x3] =	wrdreg s5  }
0x22: {  	[dreg:$0x4] =	wrdreg $0xC0  }
0x23: {  	_ =	task [dreg:s7], $0x5FFFF  }
0x24: {  	[dreg:$0x1] =	wrdreg $0xFFFFFFFF  }
0x25: {  	[dreg:$0x0] =	wrdreg $0x60  }
0x26: {  	[dreg:$0x2] =	wrdreg s25  }
0x27: {  	[dreg:$0x3] =	wrdreg s2  }
0x28: {  	[dreg:$0x4] =	wrdreg $0x9  }
0x29: {  	_ =	task.clear_ibuf [dreg:s7], $0x5FFFF;
	_ =	strace $0x90000049  }
0x2a: {  	s29 =	simm.s32 $0x9;
	_ =	strace $0x8000004B  }
0x2b: {  	_ =	swait.ge [sflag:s29], $0x1  }
0x2c: {  	[sflag:s29] =	ssyncadd.s32 $0xFFFFFFFF  }
0x2d: {  	_ =	strace $0x9000004B  }
0x2e: {  	_ =	sfence  }
0x2f: {  	s30 =	sld [smem:$0x0];
	_ =	sdelay $0x2  }
0x30: {  	s31 =	sshll.u32 s1, $0xD;
	s1 =	sshrl.u32 s1, $0x2  }
0x31: {  	s3 =	sand.u32 $0x4000, s31;
	s1 =	sadd.s32 s1, s30  }
0x32: {  	s0 =	sor.u32 s3, s0;
	s1 =	sshll.u32 s1, $0x11  }
0x33: {  	s0 =	sor.u32 s1, s0  }
0x34: {  	s0 =	sadd.s32 $0x8F2B, s0  }
0x35: {  	[sflag:s0] =	ssyncadd.remote.s32 $0x1  }
0x36: {  	_ =	sfence.sel $0xFFFF  }
0x37: {  	[dreg:$0x0] =	wrdreg $0xFFFFFFFF;
	(pc) =	sbr.abs _section_cstart, $3  }
0x38: {  	[dreg:$0x1] =	wrdreg $0xFFFFFFFF  }
0x39: {  	_ =	task.clear_ibuf [dreg:s7], $0x2FFFF;
	_ =	strace $0x9FFFFFFF  }
0x3a: {  	(tm) =	ssettm $0x7FFFFFFF  }
0x3b: {  	_ =	shalt  }
tec
execute0_lowered:
.L_overlay_start_1:
0x0: {  	(tag) =	ssettag $0x1  }
0x1: {  	s0 =	stileid.u32  }
0x2: {  	s2 =	srdreg.scid;
	s7 =	rddreg [dreg:$0x0]  }
0x3: {  	s6 =	simm.s32 $0x1;
	s31 =	simm.s32 $0x2;
	s16 =	simm.s32 $0x0  }
0x4: {  	s9 =	simm.s32 $0x2000;
	s15 =	simm.s32 $0x0;
	s10 =	simm.s32 $0x0  }
0x5: {  	s11 =	simm.s32 $0x0;
	s14 =	simm.s32 $0x0;
	s1 =	sshll.u32 s0, $0x7  }
0x6: {  	s3 =	sshll.u32 s0, $0x4;
	s2 =	sshll.u32 s2, $0x8;
	s1 =	sand.u32 $0x380, s1  }
0x7: {  	s7 =	sadd.s32 $0xC00, s7;
	s2 =	sor.u32 s3, s2;
	s5 =	ssub.s32 $0x400, s1  }
0x8: {  	s3 =	rddreg [dreg:$0x1];
	s4 =	sand.u32 $0x180, s2;
	s29 =	sand.u32 $0x380, s5  }
0x9: {  	s30 =	ssub.s32 $0x18680, s4;
	s5 =	sshrl.u32 s5, $0xA;
	p0 =	sne.s32 s29, $0x0  }
.Ltmp0:
0xa: {  	s8 =	sshrl.u32 s30, $0x9;
	s6 =	simm.s32 @!p0 $0x0;
	(pc) =	sbr.rel .LBB1_1-.Ltmp0, $4  }
0xb: {  	s2 =	rddreg [dreg:$0x2];
	s8 =	sadd.s32 $0x1, s8;
	s6 =	sadd.s32 s6, s5  }
0xc: {  	_ =	strace $0x8000004A;
	s5 =	simm.s32 $0x1;
	s6 =	smul.u32 s6, s8  }
0xd: {  	s13 =	smov.u32 s1;
	s12 =	smov.u32 s4;
	[sflag:s5] =	ssyncpa.u1 $0x0  }
0xe: {  	p0 =	por $0x0, $0x0;
	[sflag:s31] =	ssyncpa.u1 $0x0;
	s8 =	sadd.s32 $0x1, s6  }
.LBB1_4:
0xf: {  	s21 =	sshra.s32 s21, $0x2;
	s27 =	sshll.u32 s10, $0xA;
	s22 =	sshll.u32 s11, $0x3  }
0x10: {  	s23 =	sshll.u32 s10, $0x7;
	s24 =	sand.u32 $0x78, s11;
	p1 =	sgt.s32 s10, $0x18620  }
0x11: {  	s25 =	sshra.s32 s10, $0x1F;
	s26 =	sshra.s32 s11, $0x1F;
	s20 =	sadd.s32 s21, s20  }
0x12: {  	v5 =	vld [tilespmem:s18+$0xFFFFFFD0];
	[tilespmem:s19+$0x2040 ss:$0x81] =	vst.msk $0xffff, v4;
	s21 =	sand.u32 $0xFFFFE000, s27;
	s22 =	sand.u32 $0xFFFFFC00, s22;
	s28 =	sand.u32 $0x380, s23  }
0x13: {  	v58 =	vld [tilespmem:s18+$0xFFFFFFE0];
	[tilespmem:s19+$0x2850 ss:$0x81] =	vst.msk $0xffff, v3;
	s23 =	smov.u32 s10;
	s30 =	sand.u32 s25, s10;
	s25 =	smov.u32 s11  }
0x14: {  	v59 =	vld [tilespmem:s18+$0xFFFFFFF0];
	[tilespmem:s19+$0x3060 ss:$0x81] =	vst.msk $0xffff, v2;
	s31 =	sand.u32 s26, s11;
	s21 =	sadd.s32 s22, s21;
	s22 =	sor.u32 s24, s28  }
0x15: {  	v60 =	vld [tilespmem:s18+$0x0];
	[tilespmem:s19+$0x0 ss:$0x81] =	vst.msk $0xffff, v1;
	s23 =	simm.s32 @!p1 $0x18620;
	p1 =	sgt.s32 s11, $0x380;
	s21 =	sshrl.u32 s21, $0xA  }
0x16: {  	v61 =	vld [tilespmem:s18+$0x10];
	[tilespmem:s20+$0x3870 ss:$0x81] =	vst.msk $0xffff, v0;
	s19 =	ssub.s32 s23, s30;
	s25 =	simm.s32 @!p1 $0x380;
	s29 =	smulhi.u32 $0x53E2D7, s21  }
0x17: {  	v62 =	vld [tilespmem:s18+$0x20];
	s23 =	ssub.s32 s25, s31;
	s26 =	sadd.s32 $0xFFFE79E0, s19;
	s19 =	ssub.s32 $0x186A0, s19;
	[tilespmem:s20+$0x810 ss:$0x81] =	vst.msk $0xffff, v5  }
0x18: {  	v63 =	vld [tilespmem:s18+$0xFFFFFFC0];
	[tilespmem:s20+$0x1020 ss:$0x81] =	vst.msk $0xffff, v58;
	p1 =	sgt.s32 s26, $0x7F;
	s28 =	sadd.s32 $0xFFFFFC80, s23;
	s24 =	sshrl.u32 s29, $0x7  }
0x19: {  	[tilespmem:s20+$0x1830 ss:$0x81] =	vst.msk $0xffff, v59;
	s23 =	ssub.s32 $0x400, s23;
	p2 =	sgt.s32 s28, $0x7F;
	s27 =	smul.u32 $0x186A0, s24  }
0x1a: {  	s30 =	sand.u32 $0x7, s11;
	[tilespmem:s20+$0x2040 ss:$0x81] =	vst.msk $0xffff, v60;
	s19 =	simm.s32 @p1 $0x0;
	s23 =	simm.s32 @p2 $0x0  }
0x1b: {  	[tilespmem:s20+$0x2850 ss:$0x81] =	vst.msk $0xffff, v61;
	s29 =	sshrl.u32 s22, $0x3;
	s19 =	smul.u32 s23, s19;
	s18 =	ssub.s32 s21, s27  }
0x1c: {  	[tilespmem:s20+$0x3060 ss:$0x81] =	vst.msk $0xffff, v62;
	s22 =	sshll.u32 s30, $0x12;
	s21 =	sadd.s32 s3, s29;
	s18 =	sshll.u32 s18, $0x7  }
0x1d: {  	[tilespmem:s20+$0x0 ss:$0x81] =	vst.msk $0xffff, v63;
	s31 =	sor.u32 $0x400, s22;
	s19 =	sand.u32 $0x3FFFFFFF, s19;
	s18 =	sadd.s32 s18, s21  }
0x1e: {  	[hbm4b:s18+s31] =	stream.strided.scatter [tilespmem:s17], [sflag:$0x2], s19, s9, s31, $0x20;
	[tilespmem:$0x10100] =	vst v63  }
.LBB1_5:
0x1f: {  	p1 =	slt.u32 s14, $0x2  }
0x20: {  	s18 =	smov.u32 s16;
	p2 =	sgt.s32 @!p1 s16, $0x18620;
	s17 =	sshra.s32 @!p1 s16, $0x1F  }
0x21: {  	p3 =	sgt.s32 @!p1 s15, $0x380;
	s19 =	sshra.s32 @!p1 s15, $0x1F;
	p2 =	por !p2, p1  }
0x22: {  	s16 =	sand.u32 @!p1 s17, s16;
	p3 =	por !p3, p1;
	s17 =	smov.u32 s15  }
0x23: {  	s15 =	sand.u32 @!p1 s19, s15;
	s18 =	simm.s32 @p2 $0x18620;
	s17 =	simm.s32 @p3 $0x380  }
0x24: {  	s16 =	ssub.s32 @!p1 s18, s16;
	s15 =	ssub.s32 @!p1 s17, s15  }
0x25: {  	s19 =	smov.u32 s13;
	s17 =	sadd.s32 @!p1 $0xFFFE79E0, s16;
	s18 =	sadd.s32 @!p1 $0xFFFFFC80, s15  }
0x26: {  	s16 =	ssub.s32 @!p1 $0x186A0, s16;
	p2 =	sgt.s32 @!p1 s17, $0x7F;
	p3 =	sgt.s32 @!p1 s18, $0x7F  }
0x27: {  	s15 =	ssub.s32 @!p1 $0x400, s15;
	p2 =	por !p2, p1;
	p3 =	por !p3, p1  }
0x28: {  	s17 =	sadd.s32 $0x200, s12;
	s16 =	simm.s32 @!p2 $0x0;
	s15 =	simm.s32 @!p3 $0x0  }
0x29: {  	p2 =	sgt.s32 s17, $0x1869F;
	s15 =	smul.u32 @!p1 s15, s16;
	s16 =	sadd.s32 $0x400, s13  }
0x2a: {  	s19 =	smov.u32 @p2 s16  }
0x2b: {  	s17 =	smov.u32 @p2 s4;
	p2 =	sgt.s32 s19, $0x3FF  }
0x2c: {  	s19 =	smov.u32 @p2 s1;
	p2 =	sne.s32 s14, s8  }
.Ltmp1:
0x2d: {  	p0 =	por !p0, !p0;
	s18 =	simm.s32 @!p1 $0x2;
	(pc) =	sbr.rel @!p2 .LBB1_6-.Ltmp1, $4  }
0x2e: {  	s16 =	smov.u32 s10;
	s10 =	smov.u32 s12;
	s15 =	sand.u32 @!p1 $0x3FFFFFFF, s15  }
0x2f: {  	s12 =	smov.u32 s17;
	_ =	swait.ge @!p1 [sflag:s18], s15;
	s20 =	ssub.s32 @!p1 $0x0, s15  }
0x30: {  	s15 =	smov.u32 s11;
	s14 =	sadd.s32 $0x1, s14;
	[sflag:s18] =	ssyncset.done @!p1 $0x0  }
0x31: {  	s11 =	smov.u32 s13;
	s13 =	smov.u32 s19;
	[sflag:s18] =	ssyncadd.s32 @!p1 s20  }
.LBB1_1:
0x32: {  	p1 =	sge.u32 s14, s6  }
0x33: {  	s17 =	sshrl.u32 @!p1 s13, $0x3  }
0x34: {  	s18 =	sshll.u32 @!p1 s12, $0x3;
	s17 =	smul.u32 @!p1 $0xC3800, s17  }
0x35: {  	s19 =	sshll.u32 @!p1 s13, $0x7;
	s18 =	sand.u32 @!p1 $0xFFFFFC00, s18  }
0x36: {  	s17 =	sadd.s32 @!p1 s17, s18;
	s18 =	sand.u32 @!p1 $0x380, s19  }
0x37: {  	s19 =	sand.u32 @!p1 $0x7F, s12;
	s17 =	sor.u32 @!p1 s18, s17  }
0x38: {  	s18 =	sor.u32 @!p1 s19, s17  }
0x39: {  	s19 =	smulhi.u32 @!p1 $0xA79C7B17, s18;
	_ =	sdelay $0x1  }
0x3a: {  	s17 =	smulhi.u32 @!p1 $0xA79C7B17, s17;
	s19 =	sshrl.u32 @!p1 s19, $0x10  }
0x3b: {  	s19 =	smul.u32 @!p1 $0x18700, s19  }
0x3c: {  	s31 =	sadd.s32 $0xFFFFFFFF, s14;
	s20 =	sxor.u32 @!p1 $0xFFFFFFFF, s14;
	s17 =	sshrl.u32 @!p1 s17, $0x10  }
0x3d: {  	s20 =	sshll.u32 @!p1 s20, $0xE;
	s17 =	sand.u32 @!p1 $0x3FF, s17;
	s18 =	ssub.s32 @!p1 s18, s19  }
0x3e: {  	s17 =	smul.u32 @!p1 $0x30E0, s17;
	s19 =	sshrl.u32 @!p1 s18, $0x3;
	s18 =	sand.u32 @!p1 $0x7, s18  }
0x3f: {  	s20 =	sand.u32 @!p1 $0x4000, s20;
	s19 =	sadd.s32 @!p1 s7, s19;
	s18 =	sshll.u32 @!p1 s18, $0x12  }
0x40: {  	s17 =	sadd.s32 @!p1 s17, s19;
	s18 =	sor.u32 @!p1 $0x400, s18;
	s19 =	simm.s32 @!p1 $0xC3800  }
0x41: {  	[tilespmem:s20], [sflag:$0x1] =	stream.strided.gather @!p1 [hbm4b:s17+s18], $0x4000, s19, s18, $0x38;
	[tilespmem:$0x10100] =	vst v63  }
0x42: {  	p1 =	sge.u32 s31, s6  }
.Ltmp2:
0x43: {  	_ = 	snop;
	(pc) =	sbr.rel @p1 .LBB1_5-.Ltmp2, $1  }
0x44: {  	_ =	sdelay $0x3  }
0x45: {  	s17 =	simm.s32 $0x1  }
0x46: {  	_ =	swait.ge [sflag:s5], $0x4000;
	s17 =	simm.s32 @!p0 $0x0  }
0x47: {  	[sflag:s5] =	ssyncset.done $0x0;
	s18 =	sshll.u32 s17, $0xE  }
0x48: {  	[sflag:s5] =	ssyncadd.s32 $0xFFFFC000;
	s18 =	sor.u32 $0x40, s18  }
0x49: {  	s17 =	smul.u32 $0x10200, s17;
	v0 =	vld [tilespmem:s18+$0x30]  }
0x4a: {  	v1 =	vld [tilespmem:s18+$0xFFFFFFD0]  }
0x4b: {  	s17 =	sshrl.u32 s17, $0x2;
	v5 =	vld [tilespmem:s18+$0xFFFFFFE0]  }
0x4c: {  	v6 =	vld [tilespmem:s18+$0xFFFFFFF0];
	s20 =	sor.u32 $0x8000, s17  }
0x4d: {  	s31 =	sand.u32 $0x1, s14;
	v4 =	vld [tilespmem:s18+$0x0];
	s19 =	sadd.s32 $0x0, s20  }
0x4e: {  	v3 =	vld [tilespmem:s18+$0x10];
	s17 =	smul.u32 $0x10200, s31;
	[tilespmem:s19+$0x3870 ss:$0x81] =	vst.msk $0xffff, v0  }
0x4f: {  	v2 =	vld [tilespmem:s18+$0x20];
	[tilespmem:s19+$0x810 ss:$0x81] =	vst.msk $0xffff, v1  }
0x50: {  	s17 =	sshrl.u32 s17, $0x2;
	v1 =	vld [tilespmem:s18+$0xFFFFFFC0];
	[tilespmem:s19+$0x1020 ss:$0x81] =	vst.msk $0xffff, v5;
	s18 =	sadd.s32 $0x80, s18  }
0x51: {  	s21 =	simm.s32 $0x4;
	s22 =	simm.s32 $0x8;
	s17 =	sor.u32 $0x8000, s17;
	[tilespmem:s19+$0x1830 ss:$0x81] =	vst.msk $0xffff, v6;
	v0 =	vld [tilespmem:s18+$0x30]  }
.LBB1_3:
0x52: {  	p1 =	sne.s32 s22, $0x1FC;
	v5 =	vld [tilespmem:s18+$0xFFFFFFD0];
	[tilespmem:s19+$0x2040 ss:$0x81] =	vst.msk $0xffff, v4  }
0x53: {  	v6 =	vld [tilespmem:s18+$0xFFFFFFE0];
	[tilespmem:s19+$0x2850 ss:$0x81] =	vst.msk $0xffff, v3  }
0x54: {  	s23 =	sshra.s32 s21, $0x2;
	s21 =	smov.u32 s22;
	v7 =	vld [tilespmem:s18+$0xFFFFFFF0];
	[tilespmem:s19+$0x3060 ss:$0x81] =	vst.msk $0xffff, v2  }
.Ltmp3:
0x55: {  	v4 =	vld [tilespmem:s18+$0x0];
	[tilespmem:s19+$0x0 ss:$0x81] =	vst.msk $0xffff, v1;
	s19 =	sadd.s32 s23, s20;
	(pc) =	sbr.rel @p1 .LBB1_3-.Ltmp3, $4  }
0x56: {  	v3 =	vld [tilespmem:s18+$0x10];
	[tilespmem:s19+$0x3870 ss:$0x81] =	vst.msk $0xffff, v0  }
0x57: {  	[tilespmem:s19+$0x810 ss:$0x81] =	vst.msk $0xffff, v5;
	v2 =	vld [tilespmem:s18+$0x20]  }
0x58: {  	v1 =	vld [tilespmem:s18+$0xFFFFFFC0];
	[tilespmem:s19+$0x1020 ss:$0x81] =	vst.msk $0xffff, v6;
	s18 =	sadd.s32 $0x80, s18  }
0x59: {  	s22 =	sadd.s32 $0x4, s22;
	v0 =	vld [tilespmem:s18+$0x30];
	[tilespmem:s19+$0x1830 ss:$0x81] =	vst.msk $0xffff, v7  }
.Ltmp4:
0x5a: {  	_ = 	snop;
	(pc) =	sbr.rel .LBB1_4-.Ltmp4, $1  }
0x5b: {  	_ =	sdelay $0x3  }
.LBB1_6:
0x5c: {  	_ =	sfence.sel $0x180000  }
0x5d: {  	s1 =	simm.s32 $0x1;
	[bflag:$0x0] =	sbarrier.arrive $0xFFFF  }
0x5e: {  	s31 =	simm.s32 $0x2;
	[sflag:s1] =	ssyncpa.u1 $0x1  }
0x5f: {  	[sflag:s31] =	ssyncpa.u1 $0x1  }
0x60: {  	p0 =	sne.s32 s0, $0x0;
	_ =	strace $0x9000004A  }
0x61: {  	s0 =	sadd.s32 @!p0 $0x100000, s2;
	[bflag:$0x2] =	sbarrier.arrive $0xFFFF  }
0x62: {  	[sflag:s0] =	ssyncadd.tile.s32 @!p0 $0x1;
	_ =	shalt  }
.Lfunc_end1:
_tile_overlayer_lowered:
.L_overlay_start_2:
0x63: {  	(tag) =	ssettag $0x2  }
0x64: {  	s0 =	rddreg [dreg:$0x0];
	s2 =	stileid.u32  }
0x65: {  	s1 =	rddreg [dreg:$0x1];
	p0 =	sne.s32 s2, $0x0  }
0x66: {  	s3 =	rddreg [dreg:$0x2];
	[bflag:$0x3] =	sbarrier.arrive $0xFFFF;
	s2 =	simm.s32 @!p0 $0x1C01  }
0x67: {  	[timem:s3], [sflag:s2] =	dma.local @!p0 [hbm:s0], s1  }
0x68: {  	s0 =	simm.s32 @!p0 $0x1  }
0x69: {  	_ =	swait.ge @!p0 [sflag:s0], s1  }
0x6a: {  	s1 =	ssub.s32 @!p0 $0x0, s1;
	[sflag:s0] =	ssyncset.done @!p0 $0x0  }
0x6b: {  	[sflag:s0] =	ssyncadd.s32 @!p0 s1  }
0x6c: {  	[bflag:$0x3] =	sbarrier.arrive $0xFFFF  }
0x6d: {  	_ =	shalt  }

</sc_bundles>
